<compile_context>
chip_gen: v7x
topology: tpu7x:2x2x1
jax: 0.10.2.dev20260603
libtpu: 0.0.44.dev20260713+nightly
codegen_flags: <defaults>
</compile_context>

<pallas_src>
import functools

import jax
import jax.numpy as jnp
from jax import lax
from jax.experimental import pallas as pl
from jax.experimental.pallas import tpu as pltpu
from jax.experimental.pallas import tpu_sc as plsc

N_NODES = 10000
D = 128
LANES = 16
N_TILES = 32
EDGE_BLK = 128
NP = 10112
ROWS_PER_TILE = NP // 16



def _deg_body(n_chunks, dst_hbm, out_hbm, idx_v, acc_v):
    c = lax.axis_index("c")
    s = lax.axis_index("s")
    wid = c * 16 + s
    pltpu.sync_copy(dst_hbm.at[wid], idx_v)

    def zero(i, carry):
        acc_v[0, pl.ds(i * LANES, LANES)] = jnp.zeros((LANES,), jnp.float32)
        return carry

    lax.fori_loop(0, NP // LANES, zero, 0)
    ones = jnp.ones((LANES,), jnp.float32)
    z16 = jnp.zeros((LANES,), jnp.int32)

    def body(j, carry):
        for k in range(EDGE_BLK // LANES):
            d16 = idx_v[j, pl.ds(k * LANES, LANES)]
            plsc.addupdate_scatter(acc_v, [z16, d16], ones)
        return carry

    lax.fori_loop(0, n_chunks, body, 0)
    pltpu.sync_copy(acc_v, out_hbm.at[wid])


def _prop1_body(n_chunks, g_hbm, src_hbm, dst_hbm, out_hbm, src_v, dst_v,
                g_v, acc_v):
    c = lax.axis_index("c")
    s = lax.axis_index("s")
    wid = c * 16 + s
    pltpu.sync_copy(src_hbm.at[wid], src_v)
    pltpu.sync_copy(dst_hbm.at[wid], dst_v)
    pltpu.sync_copy(g_hbm, g_v)

    def zero(i, carry):
        acc_v[0, pl.ds(i * LANES, LANES)] = jnp.zeros((LANES,), jnp.float32)
        return carry

    lax.fori_loop(0, NP // LANES, zero, 0)
    z16 = jnp.zeros((LANES,), jnp.int32)

    def body(j, carry):
        for k in range(EDGE_BLK // LANES):
            s16 = src_v[j, pl.ds(k * LANES, LANES)]
            d16 = dst_v[j, pl.ds(k * LANES, LANES)]
            vals = plsc.load_gather(g_v, [s16])
            plsc.addupdate_scatter(acc_v, [z16, d16], vals)
        return carry

    lax.fori_loop(0, n_chunks, body, 0)
    pltpu.sync_copy(acc_v, out_hbm.at[wid])


def _prop_wide_body(n_chunks, g_hbm, src_hbm, dst_hbm, out_hbm, src_v, dst_v,
                    buf_v, acc_sh, sem):
    c = lax.axis_index("c")
    s = lax.axis_index("s")
    wid = c * 16 + s
    pltpu.sync_copy(src_hbm.at[wid], src_v)
    pltpu.sync_copy(dst_hbm.at[wid], dst_v)

    def zero(i, carry):
        for k in range(D // LANES):
            buf_v[i, pl.ds(k * LANES, LANES)] = jnp.zeros((LANES,), jnp.float32)
        return carry

    lax.fori_loop(0, EDGE_BLK, zero, 0)
    base = s * ROWS_PER_TILE
    for i in range(ROWS_PER_TILE // EDGE_BLK):
        pltpu.sync_copy(buf_v, acc_sh.at[pl.ds(base + i * EDGE_BLK, EDGE_BLK)])
    rem = ROWS_PER_TILE % EDGE_BLK
    if rem:
        pltpu.sync_copy(buf_v.at[pl.ds(0, rem)],
                        acc_sh.at[pl.ds(base + ROWS_PER_TILE - rem, rem)])
    plsc.subcore_barrier()

    def body(j, carry):
        pltpu.sync_copy(g_hbm.at[src_v.at[j]], buf_v)
        pltpu.sync_copy(buf_v, acc_sh.at[dst_v.at[j]], add=True)
        return carry

    lax.fori_loop(0, n_chunks, body, 0)
    plsc.subcore_barrier()
    pltpu.sync_copy(acc_sh.at[pl.ds(base, ROWS_PER_TILE)],
                    out_hbm.at[c].at[pl.ds(base, ROWS_PER_TILE)])



def _tc1_body(x_ref, w_ref, degp_ref, g_ref, dinv_ref):
    deg = jnp.sum(degp_ref[...], axis=(0, 1)) + 1.0
    dinv = lax.rsqrt(deg)
    h = jnp.dot(x_ref[...], w_ref[...], preferred_element_type=jnp.float32)
    g_ref[...] = h * dinv[:, None]
    dinv_ref[...] = dinv[:, None]


def _tc_mid_body(p_ref, g_ref, dinv_ref, b_ref, w_ref, gout_ref):
    dinv = dinv_ref[...]
    out = (p_ref[0] + p_ref[1] + g_ref[...]) * dinv + b_ref[...]
    h = jnp.dot(jnp.maximum(out, 0.0), w_ref[...],
                preferred_element_type=jnp.float32)
    gout_ref[...] = h * dinv


def _tc4_body(s3p_ref, g3_ref, dinv_ref, b3_ref, out_ref):
    agg = jnp.sum(s3p_ref[...], axis=(0, 1))[:, None]
    z = (agg + g3_ref[...]) * dinv_ref[...] + b3_ref[...]
    out_ref[...] = jax.nn.sigmoid(z)


def _tc_call(body, out_shapes, *args):
    return pl.pallas_call(
        body,
        out_shape=out_shapes,
    )(*args)



def kernel(x, edge_index, W1, b1, W2, b2, W3, b3):
    src = edge_index[0].astype(jnp.int32)
    dst = edge_index[1].astype(jnp.int32)
    n_edges = src.shape[0]
    per_tile = -(-n_edges // (N_TILES * EDGE_BLK)) * EDGE_BLK
    n_chunks = per_tile // EDGE_BLK
    e_pad = per_tile * N_TILES
    src_p = jnp.concatenate(
        [src, jnp.zeros((e_pad - n_edges,), jnp.int32)]
    ).reshape(N_TILES, n_chunks, EDGE_BLK)
    dst_p = jnp.concatenate(
        [dst, jnp.full((e_pad - n_edges,), N_NODES, jnp.int32)]
    ).reshape(N_TILES, n_chunks, EDGE_BLK)
    x_p = jnp.pad(x, ((0, NP - N_NODES), (0, 0)))

    mesh = plsc.VectorSubcoreMesh(core_axis_name="c", subcore_axis_name="s")
    sc_params = pltpu.CompilerParams(needs_layout_passes=False)

    deg_parts = pl.kernel(
        functools.partial(_deg_body, n_chunks),
        out_type=jax.ShapeDtypeStruct((N_TILES, 1, NP), jnp.float32),
        mesh=mesh,
        scratch_types=[
            pltpu.VMEM((n_chunks, EDGE_BLK), jnp.int32),
            pltpu.VMEM((1, NP), jnp.float32),
        ],
        compiler_params=sc_params,
    )(dst_p)

    prop_wide = pl.kernel(
        functools.partial(_prop_wide_body, n_chunks),
        out_type=jax.ShapeDtypeStruct((2, NP, D), jnp.float32),
        mesh=mesh,
        scratch_types=[
            pltpu.VMEM((n_chunks, EDGE_BLK), jnp.int32),
            pltpu.VMEM((n_chunks, EDGE_BLK), jnp.int32),
            pltpu.VMEM((EDGE_BLK, D), jnp.float32),
            pltpu.VMEM_SHARED((NP, D), jnp.float32),
            pltpu.SemaphoreType.DMA,
        ],
        compiler_params=sc_params,
    )

    prop1 = pl.kernel(
        functools.partial(_prop1_body, n_chunks),
        out_type=jax.ShapeDtypeStruct((N_TILES, 1, NP), jnp.float32),
        mesh=mesh,
        scratch_types=[
            pltpu.VMEM((n_chunks, EDGE_BLK), jnp.int32),
            pltpu.VMEM((n_chunks, EDGE_BLK), jnp.int32),
            pltpu.VMEM((NP,), jnp.float32),
            pltpu.VMEM((1, NP), jnp.float32),
        ],
        compiler_params=sc_params,
    )

    g1, dinv = _tc_call(
        _tc1_body,
        (jax.ShapeDtypeStruct((NP, D), jnp.float32),
         jax.ShapeDtypeStruct((NP, 1), jnp.float32)),
        x_p, W1, deg_parts)

    p1 = prop_wide(g1, src_p, dst_p)
    g2 = _tc_call(
        _tc_mid_body,
        jax.ShapeDtypeStruct((NP, D), jnp.float32),
        p1, g1, dinv, b1.reshape(1, D), W2)

    p2 = prop_wide(g2, src_p, dst_p)
    g3 = _tc_call(
        _tc_mid_body,
        jax.ShapeDtypeStruct((NP, 1), jnp.float32),
        p2, g2, dinv, b2.reshape(1, D), W3)

    s3_parts = prop1(g3.reshape(NP), src_p, dst_p)
    out = _tc_call(
        _tc4_body,
        jax.ShapeDtypeStruct((NP, 1), jnp.float32),
        s3_parts, g3, dinv, b3.reshape(1, 1))
    return out[:N_NODES]

# --- scband reference (transcript-rebuilt; emitter-appended) ---
"""Pipeline reference for scband-heatwave-gnn-55800215109810 (READ-ONLY COPY).

The authoritative reference and input builder live on the scoring server;
editing this copy changes nothing except your own understanding.
"""

import jax, jax.numpy as jnp
import numpy as np

N_NODES = 10000
N_EDGES = 320000
D_IN = 128
D_HID = 128


def setup_inputs(seed: int = 0) -> dict:
    key = jax.random.key(seed)
    ks = jax.random.split(key, 8)
    x = jax.random.normal(ks[0], (N_NODES, D_IN), dtype=jnp.float32)
    edge_index = jax.random.randint(ks[1], (2, N_EDGES), 0, N_NODES, dtype=jnp.int64)
    W1 = jax.random.normal(ks[2], (D_IN, D_HID), dtype=jnp.float32) * (1.0 / np.sqrt(D_IN))
    b1 = jnp.zeros((D_HID,), dtype=jnp.float32)
    W2 = jax.random.normal(ks[3], (D_HID, D_HID), dtype=jnp.float32) * (1.0 / np.sqrt(D_HID))
    b2 = jnp.zeros((D_HID,), dtype=jnp.float32)
    W3 = jax.random.normal(ks[4], (D_HID, 1), dtype=jnp.float32) * (1.0 / np.sqrt(D_HID))
    b3 = jnp.zeros((1,), dtype=jnp.float32)
    return {"x": x, "edge_index": edge_index, "W1": W1, "b1": b1, "W2": W2, "b2": b2, "W3": W3, "b3": b3}


def _gcn_conv(x, src, dst, W, b):
    # PyG-style GCNConv: add self-loops, symmetric normalization, linear, scatter-add, bias
    n = x.shape[0]
    deg = jnp.zeros((n,), dtype=x.dtype).at[dst].add(1.0)
    dinv = jnp.where(deg > 0, deg ** -0.5, 0.0)
    norm = dinv[src] * dinv[dst]
    h = x @ W
    msg = h[src] * norm[:, None]
    out = jnp.zeros((n, h.shape[1]), dtype=x.dtype).at[dst].add(msg)
    return out + b


def reference(x, edge_index, W1, b1, W2, b2, W3, b3):
    n = x.shape[0]
    loops = jnp.arange(n, dtype=edge_index.dtype)
    src = jnp.concatenate([edge_index[0], loops])
    dst = jnp.concatenate([edge_index[1], loops])
    h = _gcn_conv(x, src, dst, W1, b1)
    h = jax.nn.relu(h)
    h = _gcn_conv(h, src, dst, W2, b2)
    h = jax.nn.relu(h)
    h = _gcn_conv(h, src, dst, W3, b3)
    return jax.nn.sigmoid(h)

if __name__ == "__main__":
    import jax
    _d = setup_inputs()
    print(jax.jit(kernel)(*tuple(_d.values())))

</pallas_src>

<mosaic_0001>
#map = affine_map<(d0, d1) -> (0, 0)>
#map1 = affine_map<(d0, d1) -> (0, 0, 0)>
module attributes {stable_mosaic.version = 14 : i64} {
  func.func @_prop_wide_body(%arg0: i32, %arg1: i32, %arg2: memref<10112x128xf32, #tpu.memory_space<hbm>>, %arg3: memref<32x79x128xi32, #tpu.memory_space<hbm>>, %arg4: memref<32x79x128xi32, #tpu.memory_space<hbm>>, %arg5: memref<2x10112x128xf32, #tpu.memory_space<hbm>>, %arg6: memref<79x128xi32, #tpu.memory_space<vmem>>, %arg7: memref<79x128xi32, #tpu.memory_space<vmem>>, %arg8: memref<128x128xf32, #tpu.memory_space<vmem>>, %arg9: memref<10112x128xf32, #tpu.memory_space<vmem_shared>>, %arg10: memref<!tpu.dma_semaphore, #tpu.memory_space<semaphore_mem>>) attributes {dimension_semantics = [#tpu.dimension_semantics<core_parallel>, #tpu.dimension_semantics<subcore_parallel>], iteration_bounds = array<i64: 2, 16>, scalar_prefetch = 0 : i64, scratch_operands = 5 : i64, tpu.core_type = #tpu.core_type<sc_vector_subcore>, window_params = [{transform_indices = #map}, {transform_indices = #map1}, {transform_indices = #map1}, {transform_indices = #map1}]} {
    %mul3A = arith.constant 16 : i32
    %mul3A_0 = arith.muli %arg0, %mul3A : i32
    %add3A = arith.addi %mul3A_0, %arg1 : i32
    "tpu.region"() ({
      %run_scoped3A = tpu.sem_alloc : memref<!tpu.dma_semaphore, #tpu.memory_space<semaphore_mem>>
      %dma_start3A = arith.constant 0 : i32
      %dma_start3A_26 = arith.constant 0 : i32
      %dma_start3A_27 = tpu.memref_slice %arg3[%add3A, %dma_start3A, %dma_start3A_26] : memref<32x79x128xi32, #tpu.memory_space<hbm>> -> memref<1x79x128xi32, #tpu.memory_space<hbm>>
      %dma_start3A_28 = tpu.memref_squeeze %dma_start3A_27 : memref<1x79x128xi32, #tpu.memory_space<hbm>> -> memref<79x128xi32, #tpu.memory_space<hbm>>
      %dma_start3A_29 = arith.constant 0 : i32
      %dma_start3A_30 = arith.constant 0 : i32
      %dma_start3A_31 = tpu.memref_slice %arg3[%add3A, %dma_start3A_29, %dma_start3A_30] : memref<32x79x128xi32, #tpu.memory_space<hbm>> -> memref<1x79x128xi32, #tpu.memory_space<hbm>>
      %dma_start3A_32 = tpu.memref_squeeze %dma_start3A_31 : memref<1x79x128xi32, #tpu.memory_space<hbm>> -> memref<79x128xi32, #tpu.memory_space<hbm>>
      tpu.enqueue_dma source(%dma_start3A_32 : memref<79x128xi32, #tpu.memory_space<hbm>>) target(%arg6 : memref<79x128xi32, #tpu.memory_space<vmem>>) target_semaphore(%run_scoped3A : memref<!tpu.dma_semaphore, #tpu.memory_space<semaphore_mem>>)
      %dma_wait3A = arith.constant 0 : i32
      %dma_wait3A_33 = arith.constant 0 : i32
      %dma_wait3A_34 = tpu.memref_slice %arg3[%add3A, %dma_wait3A, %dma_wait3A_33] : memref<32x79x128xi32, #tpu.memory_space<hbm>> -> memref<1x79x128xi32, #tpu.memory_space<hbm>>
      %dma_wait3A_35 = tpu.memref_squeeze %dma_wait3A_34 : memref<1x79x128xi32, #tpu.memory_space<hbm>> -> memref<79x128xi32, #tpu.memory_space<hbm>>
      %dma_wait3A_36 = arith.constant 0 : i32
      %dma_wait3A_37 = arith.constant 0 : i32
      %dma_wait3A_38 = tpu.memref_slice %arg3[%add3A, %dma_wait3A_36, %dma_wait3A_37] : memref<32x79x128xi32, #tpu.memory_space<hbm>> -> memref<1x79x128xi32, #tpu.memory_space<hbm>>
      %dma_wait3A_39 = tpu.memref_squeeze %dma_wait3A_38 : memref<1x79x128xi32, #tpu.memory_space<hbm>> -> memref<79x128xi32, #tpu.memory_space<hbm>>
      tpu.wait_dma2 semaphore(%run_scoped3A : memref<!tpu.dma_semaphore, #tpu.memory_space<semaphore_mem>>) src(%dma_wait3A_39 : memref<79x128xi32, #tpu.memory_space<hbm>>) dst(%arg6 : memref<79x128xi32, #tpu.memory_space<vmem>>)
      tpu.yield
    }) : () -> ()
    "tpu.region"() ({
      %run_scoped3A = tpu.sem_alloc : memref<!tpu.dma_semaphore, #tpu.memory_space<semaphore_mem>>
      %dma_start3A = arith.constant 0 : i32
      %dma_start3A_26 = arith.constant 0 : i32
      %dma_start3A_27 = tpu.memref_slice %arg4[%add3A, %dma_start3A, %dma_start3A_26] : memref<32x79x128xi32, #tpu.memory_space<hbm>> -> memref<1x79x128xi32, #tpu.memory_space<hbm>>
      %dma_start3A_28 = tpu.memref_squeeze %dma_start3A_27 : memref<1x79x128xi32, #tpu.memory_space<hbm>> -> memref<79x128xi32, #tpu.memory_space<hbm>>
      %dma_start3A_29 = arith.constant 0 : i32
      %dma_start3A_30 = arith.constant 0 : i32
      %dma_start3A_31 = tpu.memref_slice %arg4[%add3A, %dma_start3A_29, %dma_start3A_30] : memref<32x79x128xi32, #tpu.memory_space<hbm>> -> memref<1x79x128xi32, #tpu.memory_space<hbm>>
      %dma_start3A_32 = tpu.memref_squeeze %dma_start3A_31 : memref<1x79x128xi32, #tpu.memory_space<hbm>> -> memref<79x128xi32, #tpu.memory_space<hbm>>
      tpu.enqueue_dma source(%dma_start3A_32 : memref<79x128xi32, #tpu.memory_space<hbm>>) target(%arg7 : memref<79x128xi32, #tpu.memory_space<vmem>>) target_semaphore(%run_scoped3A : memref<!tpu.dma_semaphore, #tpu.memory_space<semaphore_mem>>)
      %dma_wait3A = arith.constant 0 : i32
      %dma_wait3A_33 = arith.constant 0 : i32
      %dma_wait3A_34 = tpu.memref_slice %arg4[%add3A, %dma_wait3A, %dma_wait3A_33] : memref<32x79x128xi32, #tpu.memory_space<hbm>> -> memref<1x79x128xi32, #tpu.memory_space<hbm>>
      %dma_wait3A_35 = tpu.memref_squeeze %dma_wait3A_34 : memref<1x79x128xi32, #tpu.memory_space<hbm>> -> memref<79x128xi32, #tpu.memory_space<hbm>>
      %dma_wait3A_36 = arith.constant 0 : i32
      %dma_wait3A_37 = arith.constant 0 : i32
      %dma_wait3A_38 = tpu.memref_slice %arg4[%add3A, %dma_wait3A_36, %dma_wait3A_37] : memref<32x79x128xi32, #tpu.memory_space<hbm>> -> memref<1x79x128xi32, #tpu.memory_space<hbm>>
      %dma_wait3A_39 = tpu.memref_squeeze %dma_wait3A_38 : memref<1x79x128xi32, #tpu.memory_space<hbm>> -> memref<79x128xi32, #tpu.memory_space<hbm>>
      tpu.wait_dma2 semaphore(%run_scoped3A : memref<!tpu.dma_semaphore, #tpu.memory_space<semaphore_mem>>) src(%dma_wait3A_39 : memref<79x128xi32, #tpu.memory_space<hbm>>) dst(%arg7 : memref<79x128xi32, #tpu.memory_space<vmem>>)
      tpu.yield
    }) : () -> ()
    %scan3A = arith.constant 0 : i32
    %scan3A_1 = arith.constant 0 : i32
    %scan3A_2 = arith.constant 128 : i32
    %scan3A_3 = arith.addi %scan3A_1, %scan3A_2 : i32
    %scan3A_4 = arith.constant 1 : i32
    scf.for %scan3A_26 = %scan3A_1 to %scan3A_3 step %scan3A_4  : i32 {
      %broadcast_in_dim3A = arith.constant 0.000000e+00 : f32
      %broadcast_in_dim3A_27 = vector.broadcast %broadcast_in_dim3A : f32 to vector<16xf32>
      %swap3A = arith.index_cast %scan3A_26 : i32 to index
      %swap3A_28 = arith.constant 0 : index
      %swap3A_29 = tpu.vector_load %arg8[%swap3A, %swap3A_28] {strides = array<i32>} : memref<128x128xf32, #tpu.memory_space<vmem>>, vector<16xf32>,
      tpu.vector_store %arg8[%swap3A, %swap3A_28], %broadcast_in_dim3A_27 {strides = array<i32>} : memref<128x128xf32, #tpu.memory_space<vmem>>, vector<16xf32>,
      %broadcast_in_dim3A_30 = arith.constant 0.000000e+00 : f32
      %broadcast_in_dim3A_31 = vector.broadcast %broadcast_in_dim3A_30 : f32 to vector<16xf32>
      %swap3A_32 = arith.index_cast %scan3A_26 : i32 to index
      %swap3A_33 = arith.constant 16 : index
      %swap3A_34 = tpu.vector_load %arg8[%swap3A_32, %swap3A_33] {strides = array<i32>} : memref<128x128xf32, #tpu.memory_space<vmem>>, vector<16xf32>,
      tpu.vector_store %arg8[%swap3A_32, %swap3A_33], %broadcast_in_dim3A_31 {strides = array<i32>} : memref<128x128xf32, #tpu.memory_space<vmem>>, vector<16xf32>,
      %broadcast_in_dim3A_35 = arith.constant 0.000000e+00 : f32
      %broadcast_in_dim3A_36 = vector.broadcast %broadcast_in_dim3A_35 : f32 to vector<16xf32>
      %swap3A_37 = arith.index_cast %scan3A_26 : i32 to index
      %swap3A_38 = arith.constant 32 : index
      %swap3A_39 = tpu.vector_load %arg8[%swap3A_37, %swap3A_38] {strides = array<i32>} : memref<128x128xf32, #tpu.memory_space<vmem>>, vector<16xf32>,
      tpu.vector_store %arg8[%swap3A_37, %swap3A_38], %broadcast_in_dim3A_36 {strides = array<i32>} : memref<128x128xf32, #tpu.memory_space<vmem>>, vector<16xf32>,
      %broadcast_in_dim3A_40 = arith.constant 0.000000e+00 : f32
      %broadcast_in_dim3A_41 = vector.broadcast %broadcast_in_dim3A_40 : f32 to vector<16xf32>
      %swap3A_42 = arith.index_cast %scan3A_26 : i32 to index
      %swap3A_43 = arith.constant 48 : index
      %swap3A_44 = tpu.vector_load %arg8[%swap3A_42, %swap3A_43] {strides = array<i32>} : memref<128x128xf32, #tpu.memory_space<vmem>>, vector<16xf32>,
      tpu.vector_store %arg8[%swap3A_42, %swap3A_43], %broadcast_in_dim3A_41 {strides = array<i32>} : memref<128x128xf32, #tpu.memory_space<vmem>>, vector<16xf32>,
      %broadcast_in_dim3A_45 = arith.constant 0.000000e+00 : f32
      %broadcast_in_dim3A_46 = vector.broadcast %broadcast_in_dim3A_45 : f32 to vector<16xf32>
      %swap3A_47 = arith.index_cast %scan3A_26 : i32 to index
      %swap3A_48 = arith.constant 64 : index
      %swap3A_49 = tpu.vector_load %arg8[%swap3A_47, %swap3A_48] {strides = array<i32>} : memref<128x128xf32, #tpu.memory_space<vmem>>, vector<16xf32>,
      tpu.vector_store %arg8[%swap3A_47, %swap3A_48], %broadcast_in_dim3A_46 {strides = array<i32>} : memref<128x128xf32, #tpu.memory_space<vmem>>, vector<16xf32>,
      %broadcast_in_dim3A_50 = arith.constant 0.000000e+00 : f32
      %broadcast_in_dim3A_51 = vector.broadcast %broadcast_in_dim3A_50 : f32 to vector<16xf32>
      %swap3A_52 = arith.index_cast %scan3A_26 : i32 to index
      %swap3A_53 = arith.constant 80 : index
      %swap3A_54 = tpu.vector_load %arg8[%swap3A_52, %swap3A_53] {strides = array<i32>} : memref<128x128xf32, #tpu.memory_space<vmem>>, vector<16xf32>,
      tpu.vector_store %arg8[%swap3A_52, %swap3A_53], %broadcast_in_dim3A_51 {strides = array<i32>} : memref<128x128xf32, #tpu.memory_space<vmem>>, vector<16xf32>,
      %broadcast_in_dim3A_55 = arith.constant 0.000000e+00 : f32
      %broadcast_in_dim3A_56 = vector.broadcast %broadcast_in_dim3A_55 : f32 to vector<16xf32>
      %swap3A_57 = arith.index_cast %scan3A_26 : i32 to index
      %swap3A_58 = arith.constant 96 : index
      %swap3A_59 = tpu.vector_load %arg8[%swap3A_57, %swap3A_58] {strides = array<i32>} : memref<128x128xf32, #tpu.memory_space<vmem>>, vector<16xf32>,
      tpu.vector_store %arg8[%swap3A_57, %swap3A_58], %broadcast_in_dim3A_56 {strides = array<i32>} : memref<128x128xf32, #tpu.memory_space<vmem>>, vector<16xf32>,
      %broadcast_in_dim3A_60 = arith.constant 0.000000e+00 : f32
      %broadcast_in_dim3A_61 = vector.broadcast %broadcast_in_dim3A_60 : f32 to vector<16xf32>
      %swap3A_62 = arith.index_cast %scan3A_26 : i32 to index
      %swap3A_63 = arith.constant 112 : index
      %swap3A_64 = tpu.vector_load %arg8[%swap3A_62, %swap3A_63] {strides = array<i32>} : memref<128x128xf32, #tpu.memory_space<vmem>>, vector<16xf32>,
      tpu.vector_store %arg8[%swap3A_62, %swap3A_63], %broadcast_in_dim3A_61 {strides = array<i32>} : memref<128x128xf32, #tpu.memory_space<vmem>>, vector<16xf32>,
    }
    %scan3A_5 = arith.constant 128 : i32
    %mul3A_6 = arith.constant 632 : i32
    %mul3A_7 = arith.muli %arg1, %mul3A_6 : i32
    %add3A_8 = arith.constant 0 : i32
    %add3A_9 = arith.addi %mul3A_7, %add3A_8 : i32
    "tpu.region"() ({
      %run_scoped3A = tpu.sem_alloc : memref<!tpu.dma_semaphore, #tpu.memory_space<semaphore_mem>>
      %dma_start3A = arith.constant 0 : i32
      %dma_start3A_26 = tpu.memref_slice %arg9[%add3A_9, %dma_start3A] : memref<10112x128xf32, #tpu.memory_space<vmem_shared>> -> memref<128x128xf32, #tpu.memory_space<vmem_shared>>
      %dma_start3A_27 = arith.constant 0 : i32
      %dma_start3A_28 = tpu.memref_slice %arg9[%add3A_9, %dma_start3A_27] : memref<10112x128xf32, #tpu.memory_space<vmem_shared>> -> memref<128x128xf32, #tpu.memory_space<vmem_shared>>
      tpu.enqueue_dma source(%arg8 : memref<128x128xf32, #tpu.memory_space<vmem>>) target(%dma_start3A_28 : memref<128x128xf32, #tpu.memory_space<vmem_shared>>) target_semaphore(%run_scoped3A : memref<!tpu.dma_semaphore, #tpu.memory_space<semaphore_mem>>)
      %dma_wait3A = arith.constant 0 : i32
      %dma_wait3A_29 = tpu.memref_slice %arg9[%add3A_9, %dma_wait3A] : memref<10112x128xf32, #tpu.memory_space<vmem_shared>> -> memref<128x128xf32, #tpu.memory_space<vmem_shared>>
      %dma_wait3A_30 = arith.constant 0 : i32
      %dma_wait3A_31 = tpu.memref_slice %arg9[%add3A_9, %dma_wait3A_30] : memref<10112x128xf32, #tpu.memory_space<vmem_shared>> -> memref<128x128xf32, #tpu.memory_space<vmem_shared>>
      tpu.wait_dma2 semaphore(%run_scoped3A : memref<!tpu.dma_semaphore, #tpu.memory_space<semaphore_mem>>) src(%arg8 : memref<128x128xf32, #tpu.memory_space<vmem>>) dst(%dma_wait3A_31 : memref<128x128xf32, #tpu.memory_space<vmem_shared>>)
      tpu.yield
    }) : () -> ()
    %add3A_10 = arith.constant 128 : i32
    %add3A_11 = arith.addi %mul3A_7, %add3A_10 : i32
    "tpu.region"() ({
      %run_scoped3A = tpu.sem_alloc : memref<!tpu.dma_semaphore, #tpu.memory_space<semaphore_mem>>
      %dma_start3A = arith.constant 0 : i32
      %dma_start3A_26 = tpu.memref_slice %arg9[%add3A_11, %dma_start3A] : memref<10112x128xf32, #tpu.memory_space<vmem_shared>> -> memref<128x128xf32, #tpu.memory_space<vmem_shared>>
      %dma_start3A_27 = arith.constant 0 : i32
      %dma_start3A_28 = tpu.memref_slice %arg9[%add3A_11, %dma_start3A_27] : memref<10112x128xf32, #tpu.memory_space<vmem_shared>> -> memref<128x128xf32, #tpu.memory_space<vmem_shared>>
      tpu.enqueue_dma source(%arg8 : memref<128x128xf32, #tpu.memory_space<vmem>>) target(%dma_start3A_28 : memref<128x128xf32, #tpu.memory_space<vmem_shared>>) target_semaphore(%run_scoped3A : memref<!tpu.dma_semaphore, #tpu.memory_space<semaphore_mem>>)
      %dma_wait3A = arith.constant 0 : i32
      %dma_wait3A_29 = tpu.memref_slice %arg9[%add3A_11, %dma_wait3A] : memref<10112x128xf32, #tpu.memory_space<vmem_shared>> -> memref<128x128xf32, #tpu.memory_space<vmem_shared>>
      %dma_wait3A_30 = arith.constant 0 : i32
      %dma_wait3A_31 = tpu.memref_slice %arg9[%add3A_11, %dma_wait3A_30] : memref<10112x128xf32, #tpu.memory_space<vmem_shared>> -> memref<128x128xf32, #tpu.memory_space<vmem_shared>>
      tpu.wait_dma2 semaphore(%run_scoped3A : memref<!tpu.dma_semaphore, #tpu.memory_space<semaphore_mem>>) src(%arg8 : memref<128x128xf32, #tpu.memory_space<vmem>>) dst(%dma_wait3A_31 : memref<128x128xf32, #tpu.memory_space<vmem_shared>>)
      tpu.yield
    }) : () -> ()
    %add3A_12 = arith.constant 256 : i32
    %add3A_13 = arith.addi %mul3A_7, %add3A_12 : i32
    "tpu.region"() ({
      %run_scoped3A = tpu.sem_alloc : memref<!tpu.dma_semaphore, #tpu.memory_space<semaphore_mem>>
      %dma_start3A = arith.constant 0 : i32
      %dma_start3A_26 = tpu.memref_slice %arg9[%add3A_13, %dma_start3A] : memref<10112x128xf32, #tpu.memory_space<vmem_shared>> -> memref<128x128xf32, #tpu.memory_space<vmem_shared>>
      %dma_start3A_27 = arith.constant 0 : i32
      %dma_start3A_28 = tpu.memref_slice %arg9[%add3A_13, %dma_start3A_27] : memref<10112x128xf32, #tpu.memory_space<vmem_shared>> -> memref<128x128xf32, #tpu.memory_space<vmem_shared>>
      tpu.enqueue_dma source(%arg8 : memref<128x128xf32, #tpu.memory_space<vmem>>) target(%dma_start3A_28 : memref<128x128xf32, #tpu.memory_space<vmem_shared>>) target_semaphore(%run_scoped3A : memref<!tpu.dma_semaphore, #tpu.memory_space<semaphore_mem>>)
      %dma_wait3A = arith.constant 0 : i32
      %dma_wait3A_29 = tpu.memref_slice %arg9[%add3A_13, %dma_wait3A] : memref<10112x128xf32, #tpu.memory_space<vmem_shared>> -> memref<128x128xf32, #tpu.memory_space<vmem_shared>>
      %dma_wait3A_30 = arith.constant 0 : i32
      %dma_wait3A_31 = tpu.memref_slice %arg9[%add3A_13, %dma_wait3A_30] : memref<10112x128xf32, #tpu.memory_space<vmem_shared>> -> memref<128x128xf32, #tpu.memory_space<vmem_shared>>
      tpu.wait_dma2 semaphore(%run_scoped3A : memref<!tpu.dma_semaphore, #tpu.memory_space<semaphore_mem>>) src(%arg8 : memref<128x128xf32, #tpu.memory_space<vmem>>) dst(%dma_wait3A_31 : memref<128x128xf32, #tpu.memory_space<vmem_shared>>)
      tpu.yield
    }) : () -> ()
    %add3A_14 = arith.constant 384 : i32
    %add3A_15 = arith.addi %mul3A_7, %add3A_14 : i32
    "tpu.region"() ({
      %run_scoped3A = tpu.sem_alloc : memref<!tpu.dma_semaphore, #tpu.memory_space<semaphore_mem>>
      %dma_start3A = arith.constant 0 : i32
      %dma_start3A_26 = tpu.memref_slice %arg9[%add3A_15, %dma_start3A] : memref<10112x128xf32, #tpu.memory_space<vmem_shared>> -> memref<128x128xf32, #tpu.memory_space<vmem_shared>>
      %dma_start3A_27 = arith.constant 0 : i32
      %dma_start3A_28 = tpu.memref_slice %arg9[%add3A_15, %dma_start3A_27] : memref<10112x128xf32, #tpu.memory_space<vmem_shared>> -> memref<128x128xf32, #tpu.memory_space<vmem_shared>>
      tpu.enqueue_dma source(%arg8 : memref<128x128xf32, #tpu.memory_space<vmem>>) target(%dma_start3A_28 : memref<128x128xf32, #tpu.memory_space<vmem_shared>>) target_semaphore(%run_scoped3A : memref<!tpu.dma_semaphore, #tpu.memory_space<semaphore_mem>>)
      %dma_wait3A = arith.constant 0 : i32
      %dma_wait3A_29 = tpu.memref_slice %arg9[%add3A_15, %dma_wait3A] : memref<10112x128xf32, #tpu.memory_space<vmem_shared>> -> memref<128x128xf32, #tpu.memory_space<vmem_shared>>
      %dma_wait3A_30 = arith.constant 0 : i32
      %dma_wait3A_31 = tpu.memref_slice %arg9[%add3A_15, %dma_wait3A_30] : memref<10112x128xf32, #tpu.memory_space<vmem_shared>> -> memref<128x128xf32, #tpu.memory_space<vmem_shared>>
      tpu.wait_dma2 semaphore(%run_scoped3A : memref<!tpu.dma_semaphore, #tpu.memory_space<semaphore_mem>>) src(%arg8 : memref<128x128xf32, #tpu.memory_space<vmem>>) dst(%dma_wait3A_31 : memref<128x128xf32, #tpu.memory_space<vmem_shared>>)
      tpu.yield
    }) : () -> ()
    %add3A_16 = arith.constant 632 : i32
    %add3A_17 = arith.addi %mul3A_7, %add3A_16 : i32
    %sub3A = arith.constant 120 : i32
    %sub3A_18 = arith.subi %add3A_17, %sub3A : i32
    "tpu.region"() ({
      %run_scoped3A = tpu.sem_alloc : memref<!tpu.dma_semaphore, #tpu.memory_space<semaphore_mem>>
      %dma_start3A = arith.constant 0 : i32
      %dma_start3A_26 = arith.constant 0 : i32
      %dma_start3A_27 = tpu.memref_slice %arg8[%dma_start3A, %dma_start3A_26] : memref<128x128xf32, #tpu.memory_space<vmem>> -> memref<120x128xf32, #tpu.memory_space<vmem>>
      %dma_start3A_28 = arith.constant 0 : i32
      %dma_start3A_29 = tpu.memref_slice %arg9[%sub3A_18, %dma_start3A_28] : memref<10112x128xf32, #tpu.memory_space<vmem_shared>> -> memref<120x128xf32, #tpu.memory_space<vmem_shared>>
      %dma_start3A_30 = arith.constant 0 : i32
      %dma_start3A_31 = tpu.memref_slice %arg9[%sub3A_18, %dma_start3A_30] : memref<10112x128xf32, #tpu.memory_space<vmem_shared>> -> memref<120x128xf32, #tpu.memory_space<vmem_shared>>
      %dma_start3A_32 = arith.constant 0 : i32
      %dma_start3A_33 = arith.constant 0 : i32
      %dma_start3A_34 = tpu.memref_slice %arg8[%dma_start3A_32, %dma_start3A_33] : memref<128x128xf32, #tpu.memory_space<vmem>> -> memref<120x128xf32, #tpu.memory_space<vmem>>
      tpu.enqueue_dma source(%dma_start3A_34 : memref<120x128xf32, #tpu.memory_space<vmem>>) target(%dma_start3A_31 : memref<120x128xf32, #tpu.memory_space<vmem_shared>>) target_semaphore(%run_scoped3A : memref<!tpu.dma_semaphore, #tpu.memory_space<semaphore_mem>>)
      %dma_wait3A = arith.constant 0 : i32
      %dma_wait3A_35 = arith.constant 0 : i32
      %dma_wait3A_36 = tpu.memref_slice %arg8[%dma_wait3A, %dma_wait3A_35] : memref<128x128xf32, #tpu.memory_space<vmem>> -> memref<120x128xf32, #tpu.memory_space<vmem>>
      %dma_wait3A_37 = arith.constant 0 : i32
      %dma_wait3A_38 = tpu.memref_slice %arg9[%sub3A_18, %dma_wait3A_37] : memref<10112x128xf32, #tpu.memory_space<vmem_shared>> -> memref<120x128xf32, #tpu.memory_space<vmem_shared>>
      %dma_wait3A_39 = arith.constant 0 : i32
      %dma_wait3A_40 = tpu.memref_slice %arg9[%sub3A_18, %dma_wait3A_39] : memref<10112x128xf32, #tpu.memory_space<vmem_shared>> -> memref<120x128xf32, #tpu.memory_space<vmem_shared>>
      %dma_wait3A_41 = arith.constant 0 : i32
      %dma_wait3A_42 = arith.constant 0 : i32
      %dma_wait3A_43 = tpu.memref_slice %arg8[%dma_wait3A_41, %dma_wait3A_42] : memref<128x128xf32, #tpu.memory_space<vmem>> -> memref<120x128xf32, #tpu.memory_space<vmem>>
      tpu.wait_dma2 semaphore(%run_scoped3A : memref<!tpu.dma_semaphore, #tpu.memory_space<semaphore_mem>>) src(%dma_wait3A_43 : memref<120x128xf32, #tpu.memory_space<vmem>>) dst(%dma_wait3A_40 : memref<120x128xf32, #tpu.memory_space<vmem_shared>>)
      tpu.yield
    }) : () -> ()
    %barrier3A = arith.constant 0 : index
    tpu.barrier barrier_id(%barrier3A)
    %scan3A_19 = arith.constant 0 : i32
    %scan3A_20 = arith.constant 0 : i32
    %scan3A_21 = arith.constant 79 : i32
    %scan3A_22 = arith.addi %scan3A_20, %scan3A_21 : i32
    %scan3A_23 = arith.constant 1 : i32
    scf.for %scan3A_26 = %scan3A_20 to %scan3A_22 step %scan3A_23  : i32 {
      "tpu.region"() ({
        %run_scoped3A = tpu.sem_alloc : memref<!tpu.dma_semaphore, #tpu.memory_space<semaphore_mem>>
        %dma_start3A = arith.constant 0 : i32
        %dma_start3A_27 = tpu.memref_slice %arg6[%scan3A_26, %dma_start3A] : memref<79x128xi32, #tpu.memory_space<vmem>> -> memref<1x128xi32, #tpu.memory_space<vmem>>
        %dma_start3A_28 = tpu.memref_squeeze %dma_start3A_27 : memref<1x128xi32, #tpu.memory_space<vmem>> -> memref<128xi32, #tpu.memory_space<vmem>>
        %dma_start3A_29 = arith.constant 0 : i32
        %dma_start3A_30 = arith.constant 0 : i32
        %dma_start3A_31 = tpu.memref_slice %arg2[%dma_start3A_29, %dma_start3A_30] : memref<10112x128xf32, #tpu.memory_space<hbm>> -> memref<10112x128xf32, #tpu.memory_space<hbm>>
        tpu.enqueue_indirect_dma source(%dma_start3A_31 : memref<10112x128xf32, #tpu.memory_space<hbm>>) target(%arg8 : memref<128x128xf32, #tpu.memory_space<vmem>>) offsets(%dma_start3A_28 : memref<128xi32, #tpu.memory_space<vmem>>) semaphore(%run_scoped3A : memref<!tpu.dma_semaphore, #tpu.memory_space<semaphore_mem>>)
        %dma_wait3A = arith.constant 0 : i32
        %dma_wait3A_32 = tpu.memref_slice %arg6[%scan3A_26, %dma_wait3A] : memref<79x128xi32, #tpu.memory_space<vmem>> -> memref<1x128xi32, #tpu.memory_space<vmem>>
        %dma_wait3A_33 = tpu.memref_squeeze %dma_wait3A_32 : memref<1x128xi32, #tpu.memory_space<vmem>> -> memref<128xi32, #tpu.memory_space<vmem>>
        %dma_wait3A_34 = arith.constant 0 : i32
        %dma_wait3A_35 = arith.constant 0 : i32
        %dma_wait3A_36 = tpu.memref_slice %arg2[%dma_wait3A_34, %dma_wait3A_35] : memref<10112x128xf32, #tpu.memory_space<hbm>> -> memref<10112x128xf32, #tpu.memory_space<hbm>>
        tpu.wait_indirect_dma semaphore(%run_scoped3A : memref<!tpu.dma_semaphore, #tpu.memory_space<semaphore_mem>>) src(%dma_wait3A_36 : memref<10112x128xf32, #tpu.memory_space<hbm>>) dst(%arg8 : memref<128x128xf32, #tpu.memory_space<vmem>>)
        tpu.yield
      }) : () -> ()
      "tpu.region"() ({
        %run_scoped3A = tpu.sem_alloc : memref<!tpu.dma_semaphore, #tpu.memory_space<semaphore_mem>>
        %dma_start3A = arith.constant 0 : i32
        %dma_start3A_27 = tpu.memref_slice %arg7[%scan3A_26, %dma_start3A] : memref<79x128xi32, #tpu.memory_space<vmem>> -> memref<1x128xi32, #tpu.memory_space<vmem>>
        %dma_start3A_28 = tpu.memref_squeeze %dma_start3A_27 : memref<1x128xi32, #tpu.memory_space<vmem>> -> memref<128xi32, #tpu.memory_space<vmem>>
        %dma_start3A_29 = arith.constant 0 : i32
        %dma_start3A_30 = arith.constant 0 : i32
        %dma_start3A_31 = tpu.memref_slice %arg9[%dma_start3A_29, %dma_start3A_30] : memref<10112x128xf32, #tpu.memory_space<vmem_shared>> -> memref<10112x128xf32, #tpu.memory_space<vmem_shared>>
        tpu.enqueue_indirect_dma source(%arg8 : memref<128x128xf32, #tpu.memory_space<vmem>>) target(%dma_start3A_31 : memref<10112x128xf32, #tpu.memory_space<vmem_shared>>) offsets(%dma_start3A_28 : memref<128xi32, #tpu.memory_space<vmem>>) semaphore(%run_scoped3A : memref<!tpu.dma_semaphore, #tpu.memory_space<semaphore_mem>>) {add = true}
        %dma_wait3A = arith.constant 0 : i32
        %dma_wait3A_32 = tpu.memref_slice %arg7[%scan3A_26, %dma_wait3A] : memref<79x128xi32, #tpu.memory_space<vmem>> -> memref<1x128xi32, #tpu.memory_space<vmem>>
        %dma_wait3A_33 = tpu.memref_squeeze %dma_wait3A_32 : memref<1x128xi32, #tpu.memory_space<vmem>> -> memref<128xi32, #tpu.memory_space<vmem>>
        %dma_wait3A_34 = arith.constant 0 : i32
        %dma_wait3A_35 = arith.constant 0 : i32
        %dma_wait3A_36 = tpu.memref_slice %arg9[%dma_wait3A_34, %dma_wait3A_35] : memref<10112x128xf32, #tpu.memory_space<vmem_shared>> -> memref<10112x128xf32, #tpu.memory_space<vmem_shared>>
        tpu.wait_indirect_dma semaphore(%run_scoped3A : memref<!tpu.dma_semaphore, #tpu.memory_space<semaphore_mem>>) src(%arg8 : memref<128x128xf32, #tpu.memory_space<vmem>>) dst(%dma_wait3A_36 : memref<10112x128xf32, #tpu.memory_space<vmem_shared>>)
        tpu.yield
      }) : () -> ()
    }
    %scan3A_24 = arith.constant 79 : i32
    %barrier3A_25 = arith.constant 0 : index
    tpu.barrier barrier_id(%barrier3A_25)
    "tpu.region"() ({
      %run_scoped3A = tpu.sem_alloc : memref<!tpu.dma_semaphore, #tpu.memory_space<semaphore_mem>>
      %dma_start3A = arith.constant 0 : i32
      %dma_start3A_26 = arith.constant 0 : i32
      %dma_start3A_27 = tpu.memref_slice %arg5[%arg0, %dma_start3A, %dma_start3A_26] : memref<2x10112x128xf32, #tpu.memory_space<hbm>> -> memref<1x10112x128xf32, #tpu.memory_space<hbm>>
      %dma_start3A_28 = tpu.memref_squeeze %dma_start3A_27 : memref<1x10112x128xf32, #tpu.memory_space<hbm>> -> memref<10112x128xf32, #tpu.memory_space<hbm>>
      %dma_start3A_29 = arith.constant 0 : i32
      %dma_start3A_30 = tpu.memref_slice %dma_start3A_28[%mul3A_7, %dma_start3A_29] : memref<10112x128xf32, #tpu.memory_space<hbm>> -> memref<632x128xf32, #tpu.memory_space<hbm>>
      %dma_start3A_31 = arith.constant 0 : i32
      %dma_start3A_32 = tpu.memref_slice %arg9[%mul3A_7, %dma_start3A_31] : memref<10112x128xf32, #tpu.memory_space<vmem_shared>> -> memref<632x128xf32, #tpu.memory_space<vmem_shared>>
      tpu.enqueue_dma source(%dma_start3A_32 : memref<632x128xf32, #tpu.memory_space<vmem_shared>>) target(%dma_start3A_30 : memref<632x128xf32, #tpu.memory_space<hbm>>) target_semaphore(%run_scoped3A : memref<!tpu.dma_semaphore, #tpu.memory_space<semaphore_mem>>)
      %dma_wait3A = arith.constant 0 : i32
      %dma_wait3A_33 = arith.constant 0 : i32
      %dma_wait3A_34 = tpu.memref_slice %arg5[%arg0, %dma_wait3A, %dma_wait3A_33] : memref<2x10112x128xf32, #tpu.memory_space<hbm>> -> memref<1x10112x128xf32, #tpu.memory_space<hbm>>
      %dma_wait3A_35 = tpu.memref_squeeze %dma_wait3A_34 : memref<1x10112x128xf32, #tpu.memory_space<hbm>> -> memref<10112x128xf32, #tpu.memory_space<hbm>>
      %dma_wait3A_36 = arith.constant 0 : i32
      %dma_wait3A_37 = tpu.memref_slice %dma_wait3A_35[%mul3A_7, %dma_wait3A_36] : memref<10112x128xf32, #tpu.memory_space<hbm>> -> memref<632x128xf32, #tpu.memory_space<hbm>>
      %dma_wait3A_38 = arith.constant 0 : i32
      %dma_wait3A_39 = tpu.memref_slice %arg9[%mul3A_7, %dma_wait3A_38] : memref<10112x128xf32, #tpu.memory_space<vmem_shared>> -> memref<632x128xf32, #tpu.memory_space<vmem_shared>>
      tpu.wait_dma2 semaphore(%run_scoped3A : memref<!tpu.dma_semaphore, #tpu.memory_space<semaphore_mem>>) src(%dma_wait3A_39 : memref<632x128xf32, #tpu.memory_space<vmem_shared>>) dst(%dma_wait3A_37 : memref<632x128xf32, #tpu.memory_space<hbm>>)
      tpu.yield
    }) : () -> ()
    return
  }
}

#map = affine_map<(d0, d1) -> (0, 0, 0)>
module attributes {stable_mosaic.version = 14 : i64} {
  func.func @_deg_body(%arg0: i32, %arg1: i32, %arg2: memref<32x79x128xi32, #tpu.memory_space<hbm>>, %arg3: memref<32x1x10112xf32, #tpu.memory_space<hbm>>, %arg4: memref<79x128xi32, #tpu.memory_space<vmem>>, %arg5: memref<1x10112xf32, #tpu.memory_space<vmem>>) attributes {dimension_semantics = [#tpu.dimension_semantics<core_parallel>, #tpu.dimension_semantics<subcore_parallel>], iteration_bounds = array<i64: 2, 16>, scalar_prefetch = 0 : i64, scratch_operands = 2 : i64, tpu.core_type = #tpu.core_type<sc_vector_subcore>, window_params = [{transform_indices = #map}, {transform_indices = #map}]} {
    %mul3A = arith.constant 16 : i32
    %mul3A_0 = arith.muli %arg0, %mul3A : i32
    %add3A = arith.addi %mul3A_0, %arg1 : i32
    "tpu.region"() ({
      %run_scoped3A = tpu.sem_alloc : memref<!tpu.dma_semaphore, #tpu.memory_space<semaphore_mem>>
      %dma_start3A = arith.constant 0 : i32
      %dma_start3A_15 = arith.constant 0 : i32
      %dma_start3A_16 = tpu.memref_slice %arg2[%add3A, %dma_start3A, %dma_start3A_15] : memref<32x79x128xi32, #tpu.memory_space<hbm>> -> memref<1x79x128xi32, #tpu.memory_space<hbm>>
      %dma_start3A_17 = tpu.memref_squeeze %dma_start3A_16 : memref<1x79x128xi32, #tpu.memory_space<hbm>> -> memref<79x128xi32, #tpu.memory_space<hbm>>
      %dma_start3A_18 = arith.constant 0 : i32
      %dma_start3A_19 = arith.constant 0 : i32
      %dma_start3A_20 = tpu.memref_slice %arg2[%add3A, %dma_start3A_18, %dma_start3A_19] : memref<32x79x128xi32, #tpu.memory_space<hbm>> -> memref<1x79x128xi32, #tpu.memory_space<hbm>>
      %dma_start3A_21 = tpu.memref_squeeze %dma_start3A_20 : memref<1x79x128xi32, #tpu.memory_space<hbm>> -> memref<79x128xi32, #tpu.memory_space<hbm>>
      tpu.enqueue_dma source(%dma_start3A_21 : memref<79x128xi32, #tpu.memory_space<hbm>>) target(%arg4 : memref<79x128xi32, #tpu.memory_space<vmem>>) target_semaphore(%run_scoped3A : memref<!tpu.dma_semaphore, #tpu.memory_space<semaphore_mem>>)
      %dma_wait3A = arith.constant 0 : i32
      %dma_wait3A_22 = arith.constant 0 : i32
      %dma_wait3A_23 = tpu.memref_slice %arg2[%add3A, %dma_wait3A, %dma_wait3A_22] : memref<32x79x128xi32, #tpu.memory_space<hbm>> -> memref<1x79x128xi32, #tpu.memory_space<hbm>>
      %dma_wait3A_24 = tpu.memref_squeeze %dma_wait3A_23 : memref<1x79x128xi32, #tpu.memory_space<hbm>> -> memref<79x128xi32, #tpu.memory_space<hbm>>
      %dma_wait3A_25 = arith.constant 0 : i32
      %dma_wait3A_26 = arith.constant 0 : i32
      %dma_wait3A_27 = tpu.memref_slice %arg2[%add3A, %dma_wait3A_25, %dma_wait3A_26] : memref<32x79x128xi32, #tpu.memory_space<hbm>> -> memref<1x79x128xi32, #tpu.memory_space<hbm>>
      %dma_wait3A_28 = tpu.memref_squeeze %dma_wait3A_27 : memref<1x79x128xi32, #tpu.memory_space<hbm>> -> memref<79x128xi32, #tpu.memory_space<hbm>>
      tpu.wait_dma2 semaphore(%run_scoped3A : memref<!tpu.dma_semaphore, #tpu.memory_space<semaphore_mem>>) src(%dma_wait3A_28 : memref<79x128xi32, #tpu.memory_space<hbm>>) dst(%arg4 : memref<79x128xi32, #tpu.memory_space<vmem>>)
      tpu.yield
    }) : () -> ()
    %scan3A = arith.constant 0 : i32
    %scan3A_1 = arith.constant 0 : i32
    %scan3A_2 = arith.constant 632 : i32
    %scan3A_3 = arith.addi %scan3A_1, %scan3A_2 : i32
    %scan3A_4 = arith.constant 1 : i32
    scf.for %scan3A_15 = %scan3A_1 to %scan3A_3 step %scan3A_4  : i32 {
      %broadcast_in_dim3A_16 = arith.constant 0.000000e+00 : f32
      %broadcast_in_dim3A_17 = vector.broadcast %broadcast_in_dim3A_16 : f32 to vector<16xf32>
      %mul3A_18 = arith.constant 16 : i32
      %mul3A_19 = arith.muli %scan3A_15, %mul3A_18 : i32
      %swap3A = arith.constant 0 : i32
      %swap3A_20 = arith.index_cast %swap3A : i32 to index
      %swap3A_21 = arith.index_cast %mul3A_19 : i32 to index
      %swap3A_22 = tpu.vector_load %arg5[%swap3A_20, %swap3A_21] {strides = array<i32>} : memref<1x10112xf32, #tpu.memory_space<vmem>>, vector<16xf32>,
      tpu.vector_store %arg5[%swap3A_20, %swap3A_21], %broadcast_in_dim3A_17 {strides = array<i32>} : memref<1x10112xf32, #tpu.memory_space<vmem>>, vector<16xf32>,
    }
    %scan3A_5 = arith.constant 632 : i32
    %broadcast_in_dim3A = arith.constant 1.000000e+00 : f32
    %broadcast_in_dim3A_6 = vector.broadcast %broadcast_in_dim3A : f32 to vector<16xf32>
    %broadcast_in_dim3A_7 = arith.constant 0 : i32
    %broadcast_in_dim3A_8 = vector.broadcast %broadcast_in_dim3A_7 : i32 to vector<16xi32>
    %scan3A_9 = arith.constant 0 : i32
    %scan3A_10 = arith.constant 0 : i32
    %scan3A_11 = arith.constant 79 : i32
    %scan3A_12 = arith.addi %scan3A_10, %scan3A_11 : i32
    %scan3A_13 = arith.constant 1 : i32
    scf.for %scan3A_15 = %scan3A_10 to %scan3A_12 step %scan3A_13  : i32 {
      %get3A = arith.index_cast %scan3A_15 : i32 to index
      %get3A_16 = arith.constant 0 : index
      %get3A_17 = tpu.vector_load %arg4[%get3A, %get3A_16] {strides = array<i32>} : memref<79x128xi32, #tpu.memory_space<vmem>>, vector<16xi32>,
      tpu.vector_store_idx %arg5[%broadcast_in_dim3A_8, %get3A_17], %broadcast_in_dim3A_6 {add = true} : memref<1x10112xf32, #tpu.memory_space<vmem>>[vector<16xi32>, vector<16xi32>], vector<16xf32>,
      %get3A_18 = arith.index_cast %scan3A_15 : i32 to index
      %get3A_19 = arith.constant 16 : index
      %get3A_20 = tpu.vector_load %arg4[%get3A_18, %get3A_19] {strides = array<i32>} : memref<79x128xi32, #tpu.memory_space<vmem>>, vector<16xi32>,
      tpu.vector_store_idx %arg5[%broadcast_in_dim3A_8, %get3A_20], %broadcast_in_dim3A_6 {add = true} : memref<1x10112xf32, #tpu.memory_space<vmem>>[vector<16xi32>, vector<16xi32>], vector<16xf32>,
      %get3A_21 = arith.index_cast %scan3A_15 : i32 to index
      %get3A_22 = arith.constant 32 : index
      %get3A_23 = tpu.vector_load %arg4[%get3A_21, %get3A_22] {strides = array<i32>} : memref<79x128xi32, #tpu.memory_space<vmem>>, vector<16xi32>,
      tpu.vector_store_idx %arg5[%broadcast_in_dim3A_8, %get3A_23], %broadcast_in_dim3A_6 {add = true} : memref<1x10112xf32, #tpu.memory_space<vmem>>[vector<16xi32>, vector<16xi32>], vector<16xf32>,
      %get3A_24 = arith.index_cast %scan3A_15 : i32 to index
      %get3A_25 = arith.constant 48 : index
      %get3A_26 = tpu.vector_load %arg4[%get3A_24, %get3A_25] {strides = array<i32>} : memref<79x128xi32, #tpu.memory_space<vmem>>, vector<16xi32>,
      tpu.vector_store_idx %arg5[%broadcast_in_dim3A_8, %get3A_26], %broadcast_in_dim3A_6 {add = true} : memref<1x10112xf32, #tpu.memory_space<vmem>>[vector<16xi32>, vector<16xi32>], vector<16xf32>,
      %get3A_27 = arith.index_cast %scan3A_15 : i32 to index
      %get3A_28 = arith.constant 64 : index
      %get3A_29 = tpu.vector_load %arg4[%get3A_27, %get3A_28] {strides = array<i32>} : memref<79x128xi32, #tpu.memory_space<vmem>>, vector<16xi32>,
      tpu.vector_store_idx %arg5[%broadcast_in_dim3A_8, %get3A_29], %broadcast_in_dim3A_6 {add = true} : memref<1x10112xf32, #tpu.memory_space<vmem>>[vector<16xi32>, vector<16xi32>], vector<16xf32>,
      %get3A_30 = arith.index_cast %scan3A_15 : i32 to index
      %get3A_31 = arith.constant 80 : index
      %get3A_32 = tpu.vector_load %arg4[%get3A_30, %get3A_31] {strides = array<i32>} : memref<79x128xi32, #tpu.memory_space<vmem>>, vector<16xi32>,
      tpu.vector_store_idx %arg5[%broadcast_in_dim3A_8, %get3A_32], %broadcast_in_dim3A_6 {add = true} : memref<1x10112xf32, #tpu.memory_space<vmem>>[vector<16xi32>, vector<16xi32>], vector<16xf32>,
      %get3A_33 = arith.index_cast %scan3A_15 : i32 to index
      %get3A_34 = arith.constant 96 : index
      %get3A_35 = tpu.vector_load %arg4[%get3A_33, %get3A_34] {strides = array<i32>} : memref<79x128xi32, #tpu.memory_space<vmem>>, vector<16xi32>,
      tpu.vector_store_idx %arg5[%broadcast_in_dim3A_8, %get3A_35], %broadcast_in_dim3A_6 {add = true} : memref<1x10112xf32, #tpu.memory_space<vmem>>[vector<16xi32>, vector<16xi32>], vector<16xf32>,
      %get3A_36 = arith.index_cast %scan3A_15 : i32 to index
      %get3A_37 = arith.constant 112 : index
      %get3A_38 = tpu.vector_load %arg4[%get3A_36, %get3A_37] {strides = array<i32>} : memref<79x128xi32, #tpu.memory_space<vmem>>, vector<16xi32>,
      tpu.vector_store_idx %arg5[%broadcast_in_dim3A_8, %get3A_38], %broadcast_in_dim3A_6 {add = true} : memref<1x10112xf32, #tpu.memory_space<vmem>>[vector<16xi32>, vector<16xi32>], vector<16xf32>,
    }
    %scan3A_14 = arith.constant 79 : i32
    "tpu.region"() ({
      %run_scoped3A = tpu.sem_alloc : memref<!tpu.dma_semaphore, #tpu.memory_space<semaphore_mem>>
      %dma_start3A = arith.constant 0 : i32
      %dma_start3A_15 = arith.constant 0 : i32
      %dma_start3A_16 = tpu.memref_slice %arg3[%add3A, %dma_start3A, %dma_start3A_15] : memref<32x1x10112xf32, #tpu.memory_space<hbm>> -> memref<1x1x10112xf32, #tpu.memory_space<hbm>>
      %dma_start3A_17 = tpu.memref_squeeze %dma_start3A_16 : memref<1x1x10112xf32, #tpu.memory_space<hbm>> -> memref<1x10112xf32, #tpu.memory_space<hbm>>
      %dma_start3A_18 = arith.constant 0 : i32
      %dma_start3A_19 = arith.constant 0 : i32
      %dma_start3A_20 = tpu.memref_slice %arg3[%add3A, %dma_start3A_18, %dma_start3A_19] : memref<32x1x10112xf32, #tpu.memory_space<hbm>> -> memref<1x1x10112xf32, #tpu.memory_space<hbm>>
      %dma_start3A_21 = tpu.memref_squeeze %dma_start3A_20 : memref<1x1x10112xf32, #tpu.memory_space<hbm>> -> memref<1x10112xf32, #tpu.memory_space<hbm>>
      tpu.enqueue_dma source(%arg5 : memref<1x10112xf32, #tpu.memory_space<vmem>>) target(%dma_start3A_21 : memref<1x10112xf32, #tpu.memory_space<hbm>>) target_semaphore(%run_scoped3A : memref<!tpu.dma_semaphore, #tpu.memory_space<semaphore_mem>>)
      %dma_wait3A = arith.constant 0 : i32
      %dma_wait3A_22 = arith.constant 0 : i32
      %dma_wait3A_23 = tpu.memref_slice %arg3[%add3A, %dma_wait3A, %dma_wait3A_22] : memref<32x1x10112xf32, #tpu.memory_space<hbm>> -> memref<1x1x10112xf32, #tpu.memory_space<hbm>>
      %dma_wait3A_24 = tpu.memref_squeeze %dma_wait3A_23 : memref<1x1x10112xf32, #tpu.memory_space<hbm>> -> memref<1x10112xf32, #tpu.memory_space<hbm>>
      %dma_wait3A_25 = arith.constant 0 : i32
      %dma_wait3A_26 = arith.constant 0 : i32
      %dma_wait3A_27 = tpu.memref_slice %arg3[%add3A, %dma_wait3A_25, %dma_wait3A_26] : memref<32x1x10112xf32, #tpu.memory_space<hbm>> -> memref<1x1x10112xf32, #tpu.memory_space<hbm>>
      %dma_wait3A_28 = tpu.memref_squeeze %dma_wait3A_27 : memref<1x1x10112xf32, #tpu.memory_space<hbm>> -> memref<1x10112xf32, #tpu.memory_space<hbm>>
      tpu.wait_dma2 semaphore(%run_scoped3A : memref<!tpu.dma_semaphore, #tpu.memory_space<semaphore_mem>>) src(%arg5 : memref<1x10112xf32, #tpu.memory_space<vmem>>) dst(%dma_wait3A_28 : memref<1x10112xf32, #tpu.memory_space<hbm>>)
      tpu.yield
    }) : () -> ()
    return
  }
}

#map = affine_map<(d0, d1) -> (0)>
#map1 = affine_map<(d0, d1) -> (0, 0, 0)>
module attributes {stable_mosaic.version = 14 : i64} {
  func.func @_prop1_body(%arg0: i32, %arg1: i32, %arg2: memref<10112xf32, #tpu.memory_space<hbm>>, %arg3: memref<32x79x128xi32, #tpu.memory_space<hbm>>, %arg4: memref<32x79x128xi32, #tpu.memory_space<hbm>>, %arg5: memref<32x1x10112xf32, #tpu.memory_space<hbm>>, %arg6: memref<79x128xi32, #tpu.memory_space<vmem>>, %arg7: memref<79x128xi32, #tpu.memory_space<vmem>>, %arg8: memref<10112xf32, #tpu.memory_space<vmem>>, %arg9: memref<1x10112xf32, #tpu.memory_space<vmem>>) attributes {dimension_semantics = [#tpu.dimension_semantics<core_parallel>, #tpu.dimension_semantics<subcore_parallel>], iteration_bounds = array<i64: 2, 16>, scalar_prefetch = 0 : i64, scratch_operands = 4 : i64, tpu.core_type = #tpu.core_type<sc_vector_subcore>, window_params = [{transform_indices = #map}, {transform_indices = #map1}, {transform_indices = #map1}, {transform_indices = #map1}]} {
    %mul3A = arith.constant 16 : i32
    %mul3A_0 = arith.muli %arg0, %mul3A : i32
    %add3A = arith.addi %mul3A_0, %arg1 : i32
    "tpu.region"() ({
      %run_scoped3A = tpu.sem_alloc : memref<!tpu.dma_semaphore, #tpu.memory_space<semaphore_mem>>
      %dma_start3A = arith.constant 0 : i32
      %dma_start3A_13 = arith.constant 0 : i32
      %dma_start3A_14 = tpu.memref_slice %arg3[%add3A, %dma_start3A, %dma_start3A_13] : memref<32x79x128xi32, #tpu.memory_space<hbm>> -> memref<1x79x128xi32, #tpu.memory_space<hbm>>
      %dma_start3A_15 = tpu.memref_squeeze %dma_start3A_14 : memref<1x79x128xi32, #tpu.memory_space<hbm>> -> memref<79x128xi32, #tpu.memory_space<hbm>>
      %dma_start3A_16 = arith.constant 0 : i32
      %dma_start3A_17 = arith.constant 0 : i32
      %dma_start3A_18 = tpu.memref_slice %arg3[%add3A, %dma_start3A_16, %dma_start3A_17] : memref<32x79x128xi32, #tpu.memory_space<hbm>> -> memref<1x79x128xi32, #tpu.memory_space<hbm>>
      %dma_start3A_19 = tpu.memref_squeeze %dma_start3A_18 : memref<1x79x128xi32, #tpu.memory_space<hbm>> -> memref<79x128xi32, #tpu.memory_space<hbm>>
      tpu.enqueue_dma source(%dma_start3A_19 : memref<79x128xi32, #tpu.memory_space<hbm>>) target(%arg6 : memref<79x128xi32, #tpu.memory_space<vmem>>) target_semaphore(%run_scoped3A : memref<!tpu.dma_semaphore, #tpu.memory_space<semaphore_mem>>)
      %dma_wait3A = arith.constant 0 : i32
      %dma_wait3A_20 = arith.constant 0 : i32
      %dma_wait3A_21 = tpu.memref_slice %arg3[%add3A, %dma_wait3A, %dma_wait3A_20] : memref<32x79x128xi32, #tpu.memory_space<hbm>> -> memref<1x79x128xi32, #tpu.memory_space<hbm>>
      %dma_wait3A_22 = tpu.memref_squeeze %dma_wait3A_21 : memref<1x79x128xi32, #tpu.memory_space<hbm>> -> memref<79x128xi32, #tpu.memory_space<hbm>>
      %dma_wait3A_23 = arith.constant 0 : i32
      %dma_wait3A_24 = arith.constant 0 : i32
      %dma_wait3A_25 = tpu.memref_slice %arg3[%add3A, %dma_wait3A_23, %dma_wait3A_24] : memref<32x79x128xi32, #tpu.memory_space<hbm>> -> memref<1x79x128xi32, #tpu.memory_space<hbm>>
      %dma_wait3A_26 = tpu.memref_squeeze %dma_wait3A_25 : memref<1x79x128xi32, #tpu.memory_space<hbm>> -> memref<79x128xi32, #tpu.memory_space<hbm>>
      tpu.wait_dma2 semaphore(%run_scoped3A : memref<!tpu.dma_semaphore, #tpu.memory_space<semaphore_mem>>) src(%dma_wait3A_26 : memref<79x128xi32, #tpu.memory_space<hbm>>) dst(%arg6 : memref<79x128xi32, #tpu.memory_space<vmem>>)
      tpu.yield
    }) : () -> ()
    "tpu.region"() ({
      %run_scoped3A = tpu.sem_alloc : memref<!tpu.dma_semaphore, #tpu.memory_space<semaphore_mem>>
      %dma_start3A = arith.constant 0 : i32
      %dma_start3A_13 = arith.constant 0 : i32
      %dma_start3A_14 = tpu.memref_slice %arg4[%add3A, %dma_start3A, %dma_start3A_13] : memref<32x79x128xi32, #tpu.memory_space<hbm>> -> memref<1x79x128xi32, #tpu.memory_space<hbm>>
      %dma_start3A_15 = tpu.memref_squeeze %dma_start3A_14 : memref<1x79x128xi32, #tpu.memory_space<hbm>> -> memref<79x128xi32, #tpu.memory_space<hbm>>
      %dma_start3A_16 = arith.constant 0 : i32
      %dma_start3A_17 = arith.constant 0 : i32
      %dma_start3A_18 = tpu.memref_slice %arg4[%add3A, %dma_start3A_16, %dma_start3A_17] : memref<32x79x128xi32, #tpu.memory_space<hbm>> -> memref<1x79x128xi32, #tpu.memory_space<hbm>>
      %dma_start3A_19 = tpu.memref_squeeze %dma_start3A_18 : memref<1x79x128xi32, #tpu.memory_space<hbm>> -> memref<79x128xi32, #tpu.memory_space<hbm>>
      tpu.enqueue_dma source(%dma_start3A_19 : memref<79x128xi32, #tpu.memory_space<hbm>>) target(%arg7 : memref<79x128xi32, #tpu.memory_space<vmem>>) target_semaphore(%run_scoped3A : memref<!tpu.dma_semaphore, #tpu.memory_space<semaphore_mem>>)
      %dma_wait3A = arith.constant 0 : i32
      %dma_wait3A_20 = arith.constant 0 : i32
      %dma_wait3A_21 = tpu.memref_slice %arg4[%add3A, %dma_wait3A, %dma_wait3A_20] : memref<32x79x128xi32, #tpu.memory_space<hbm>> -> memref<1x79x128xi32, #tpu.memory_space<hbm>>
      %dma_wait3A_22 = tpu.memref_squeeze %dma_wait3A_21 : memref<1x79x128xi32, #tpu.memory_space<hbm>> -> memref<79x128xi32, #tpu.memory_space<hbm>>
      %dma_wait3A_23 = arith.constant 0 : i32
      %dma_wait3A_24 = arith.constant 0 : i32
      %dma_wait3A_25 = tpu.memref_slice %arg4[%add3A, %dma_wait3A_23, %dma_wait3A_24] : memref<32x79x128xi32, #tpu.memory_space<hbm>> -> memref<1x79x128xi32, #tpu.memory_space<hbm>>
      %dma_wait3A_26 = tpu.memref_squeeze %dma_wait3A_25 : memref<1x79x128xi32, #tpu.memory_space<hbm>> -> memref<79x128xi32, #tpu.memory_space<hbm>>
      tpu.wait_dma2 semaphore(%run_scoped3A : memref<!tpu.dma_semaphore, #tpu.memory_space<semaphore_mem>>) src(%dma_wait3A_26 : memref<79x128xi32, #tpu.memory_space<hbm>>) dst(%arg7 : memref<79x128xi32, #tpu.memory_space<vmem>>)
      tpu.yield
    }) : () -> ()
    "tpu.region"() ({
      %run_scoped3A = tpu.sem_alloc : memref<!tpu.dma_semaphore, #tpu.memory_space<semaphore_mem>>
      tpu.enqueue_dma source(%arg2 : memref<10112xf32, #tpu.memory_space<hbm>>) target(%arg8 : memref<10112xf32, #tpu.memory_space<vmem>>) target_semaphore(%run_scoped3A : memref<!tpu.dma_semaphore, #tpu.memory_space<semaphore_mem>>)
      tpu.wait_dma2 semaphore(%run_scoped3A : memref<!tpu.dma_semaphore, #tpu.memory_space<semaphore_mem>>) src(%arg2 : memref<10112xf32, #tpu.memory_space<hbm>>) dst(%arg8 : memref<10112xf32, #tpu.memory_space<vmem>>)
      tpu.yield
    }) : () -> ()
    %scan3A = arith.constant 0 : i32
    %scan3A_1 = arith.constant 0 : i32
    %scan3A_2 = arith.constant 632 : i32
    %scan3A_3 = arith.addi %scan3A_1, %scan3A_2 : i32
    %scan3A_4 = arith.constant 1 : i32
    scf.for %scan3A_13 = %scan3A_1 to %scan3A_3 step %scan3A_4  : i32 {
      %broadcast_in_dim3A_14 = arith.constant 0.000000e+00 : f32
      %broadcast_in_dim3A_15 = vector.broadcast %broadcast_in_dim3A_14 : f32 to vector<16xf32>
      %mul3A_16 = arith.constant 16 : i32
      %mul3A_17 = arith.muli %scan3A_13, %mul3A_16 : i32
      %swap3A = arith.constant 0 : i32
      %swap3A_18 = arith.index_cast %swap3A : i32 to index
      %swap3A_19 = arith.index_cast %mul3A_17 : i32 to index
      %swap3A_20 = tpu.vector_load %arg9[%swap3A_18, %swap3A_19] {strides = array<i32>} : memref<1x10112xf32, #tpu.memory_space<vmem>>, vector<16xf32>,
      tpu.vector_store %arg9[%swap3A_18, %swap3A_19], %broadcast_in_dim3A_15 {strides = array<i32>} : memref<1x10112xf32, #tpu.memory_space<vmem>>, vector<16xf32>,
    }
    %scan3A_5 = arith.constant 632 : i32
    %broadcast_in_dim3A = arith.constant 0 : i32
    %broadcast_in_dim3A_6 = vector.broadcast %broadcast_in_dim3A : i32 to vector<16xi32>
    %scan3A_7 = arith.constant 0 : i32
    %scan3A_8 = arith.constant 0 : i32
    %scan3A_9 = arith.constant 79 : i32
    %scan3A_10 = arith.addi %scan3A_8, %scan3A_9 : i32
    %scan3A_11 = arith.constant 1 : i32
    scf.for %scan3A_13 = %scan3A_8 to %scan3A_10 step %scan3A_11  : i32 {
      %get3A = arith.index_cast %scan3A_13 : i32 to index
      %get3A_14 = arith.constant 0 : index
      %get3A_15 = tpu.vector_load %arg6[%get3A, %get3A_14] {strides = array<i32>} : memref<79x128xi32, #tpu.memory_space<vmem>>, vector<16xi32>,
      %get3A_16 = arith.index_cast %scan3A_13 : i32 to index
      %get3A_17 = arith.constant 0 : index
      %get3A_18 = tpu.vector_load %arg7[%get3A_16, %get3A_17] {strides = array<i32>} : memref<79x128xi32, #tpu.memory_space<vmem>>, vector<16xi32>,
      %gather3A = tpu.vector_load_idx %arg8[%get3A_15] : memref<10112xf32, #tpu.memory_space<vmem>>[vector<16xi32>], vector<16xf32>,
      tpu.vector_store_idx %arg9[%broadcast_in_dim3A_6, %get3A_18], %gather3A {add = true} : memref<1x10112xf32, #tpu.memory_space<vmem>>[vector<16xi32>, vector<16xi32>], vector<16xf32>,
      %get3A_19 = arith.index_cast %scan3A_13 : i32 to index
      %get3A_20 = arith.constant 16 : index
      %get3A_21 = tpu.vector_load %arg6[%get3A_19, %get3A_20] {strides = array<i32>} : memref<79x128xi32, #tpu.memory_space<vmem>>, vector<16xi32>,
      %get3A_22 = arith.index_cast %scan3A_13 : i32 to index
      %get3A_23 = arith.constant 16 : index
      %get3A_24 = tpu.vector_load %arg7[%get3A_22, %get3A_23] {strides = array<i32>} : memref<79x128xi32, #tpu.memory_space<vmem>>, vector<16xi32>,
      %gather3A_25 = tpu.vector_load_idx %arg8[%get3A_21] : memref<10112xf32, #tpu.memory_space<vmem>>[vector<16xi32>], vector<16xf32>,
      tpu.vector_store_idx %arg9[%broadcast_in_dim3A_6, %get3A_24], %gather3A_25 {add = true} : memref<1x10112xf32, #tpu.memory_space<vmem>>[vector<16xi32>, vector<16xi32>], vector<16xf32>,
      %get3A_26 = arith.index_cast %scan3A_13 : i32 to index
      %get3A_27 = arith.constant 32 : index
      %get3A_28 = tpu.vector_load %arg6[%get3A_26, %get3A_27] {strides = array<i32>} : memref<79x128xi32, #tpu.memory_space<vmem>>, vector<16xi32>,
      %get3A_29 = arith.index_cast %scan3A_13 : i32 to index
      %get3A_30 = arith.constant 32 : index
      %get3A_31 = tpu.vector_load %arg7[%get3A_29, %get3A_30] {strides = array<i32>} : memref<79x128xi32, #tpu.memory_space<vmem>>, vector<16xi32>,
      %gather3A_32 = tpu.vector_load_idx %arg8[%get3A_28] : memref<10112xf32, #tpu.memory_space<vmem>>[vector<16xi32>], vector<16xf32>,
      tpu.vector_store_idx %arg9[%broadcast_in_dim3A_6, %get3A_31], %gather3A_32 {add = true} : memref<1x10112xf32, #tpu.memory_space<vmem>>[vector<16xi32>, vector<16xi32>], vector<16xf32>,
      %get3A_33 = arith.index_cast %scan3A_13 : i32 to index
      %get3A_34 = arith.constant 48 : index
      %get3A_35 = tpu.vector_load %arg6[%get3A_33, %get3A_34] {strides = array<i32>} : memref<79x128xi32, #tpu.memory_space<vmem>>, vector<16xi32>,
      %get3A_36 = arith.index_cast %scan3A_13 : i32 to index
      %get3A_37 = arith.constant 48 : index
      %get3A_38 = tpu.vector_load %arg7[%get3A_36, %get3A_37] {strides = array<i32>} : memref<79x128xi32, #tpu.memory_space<vmem>>, vector<16xi32>,
      %gather3A_39 = tpu.vector_load_idx %arg8[%get3A_35] : memref<10112xf32, #tpu.memory_space<vmem>>[vector<16xi32>], vector<16xf32>,
      tpu.vector_store_idx %arg9[%broadcast_in_dim3A_6, %get3A_38], %gather3A_39 {add = true} : memref<1x10112xf32, #tpu.memory_space<vmem>>[vector<16xi32>, vector<16xi32>], vector<16xf32>,
      %get3A_40 = arith.index_cast %scan3A_13 : i32 to index
      %get3A_41 = arith.constant 64 : index
      %get3A_42 = tpu.vector_load %arg6[%get3A_40, %get3A_41] {strides = array<i32>} : memref<79x128xi32, #tpu.memory_space<vmem>>, vector<16xi32>,
      %get3A_43 = arith.index_cast %scan3A_13 : i32 to index
      %get3A_44 = arith.constant 64 : index
      %get3A_45 = tpu.vector_load %arg7[%get3A_43, %get3A_44] {strides = array<i32>} : memref<79x128xi32, #tpu.memory_space<vmem>>, vector<16xi32>,
      %gather3A_46 = tpu.vector_load_idx %arg8[%get3A_42] : memref<10112xf32, #tpu.memory_space<vmem>>[vector<16xi32>], vector<16xf32>,
      tpu.vector_store_idx %arg9[%broadcast_in_dim3A_6, %get3A_45], %gather3A_46 {add = true} : memref<1x10112xf32, #tpu.memory_space<vmem>>[vector<16xi32>, vector<16xi32>], vector<16xf32>,
      %get3A_47 = arith.index_cast %scan3A_13 : i32 to index
      %get3A_48 = arith.constant 80 : index
      %get3A_49 = tpu.vector_load %arg6[%get3A_47, %get3A_48] {strides = array<i32>} : memref<79x128xi32, #tpu.memory_space<vmem>>, vector<16xi32>,
      %get3A_50 = arith.index_cast %scan3A_13 : i32 to index
      %get3A_51 = arith.constant 80 : index
      %get3A_52 = tpu.vector_load %arg7[%get3A_50, %get3A_51] {strides = array<i32>} : memref<79x128xi32, #tpu.memory_space<vmem>>, vector<16xi32>,
      %gather3A_53 = tpu.vector_load_idx %arg8[%get3A_49] : memref<10112xf32, #tpu.memory_space<vmem>>[vector<16xi32>], vector<16xf32>,
      tpu.vector_store_idx %arg9[%broadcast_in_dim3A_6, %get3A_52], %gather3A_53 {add = true} : memref<1x10112xf32, #tpu.memory_space<vmem>>[vector<16xi32>, vector<16xi32>], vector<16xf32>,
      %get3A_54 = arith.index_cast %scan3A_13 : i32 to index
      %get3A_55 = arith.constant 96 : index
      %get3A_56 = tpu.vector_load %arg6[%get3A_54, %get3A_55] {strides = array<i32>} : memref<79x128xi32, #tpu.memory_space<vmem>>, vector<16xi32>,
      %get3A_57 = arith.index_cast %scan3A_13 : i32 to index
      %get3A_58 = arith.constant 96 : index
      %get3A_59 = tpu.vector_load %arg7[%get3A_57, %get3A_58] {strides = array<i32>} : memref<79x128xi32, #tpu.memory_space<vmem>>, vector<16xi32>,
      %gather3A_60 = tpu.vector_load_idx %arg8[%get3A_56] : memref<10112xf32, #tpu.memory_space<vmem>>[vector<16xi32>], vector<16xf32>,
      tpu.vector_store_idx %arg9[%broadcast_in_dim3A_6, %get3A_59], %gather3A_60 {add = true} : memref<1x10112xf32, #tpu.memory_space<vmem>>[vector<16xi32>, vector<16xi32>], vector<16xf32>,
      %get3A_61 = arith.index_cast %scan3A_13 : i32 to index
      %get3A_62 = arith.constant 112 : index
      %get3A_63 = tpu.vector_load %arg6[%get3A_61, %get3A_62] {strides = array<i32>} : memref<79x128xi32, #tpu.memory_space<vmem>>, vector<16xi32>,
      %get3A_64 = arith.index_cast %scan3A_13 : i32 to index
      %get3A_65 = arith.constant 112 : index
      %get3A_66 = tpu.vector_load %arg7[%get3A_64, %get3A_65] {strides = array<i32>} : memref<79x128xi32, #tpu.memory_space<vmem>>, vector<16xi32>,
      %gather3A_67 = tpu.vector_load_idx %arg8[%get3A_63] : memref<10112xf32, #tpu.memory_space<vmem>>[vector<16xi32>], vector<16xf32>,
      tpu.vector_store_idx %arg9[%broadcast_in_dim3A_6, %get3A_66], %gather3A_67 {add = true} : memref<1x10112xf32, #tpu.memory_space<vmem>>[vector<16xi32>, vector<16xi32>], vector<16xf32>,
    }
    %scan3A_12 = arith.constant 79 : i32
    "tpu.region"() ({
      %run_scoped3A = tpu.sem_alloc : memref<!tpu.dma_semaphore, #tpu.memory_space<semaphore_mem>>
      %dma_start3A = arith.constant 0 : i32
      %dma_start3A_13 = arith.constant 0 : i32
      %dma_start3A_14 = tpu.memref_slice %arg5[%add3A, %dma_start3A, %dma_start3A_13] : memref<32x1x10112xf32, #tpu.memory_space<hbm>> -> memref<1x1x10112xf32, #tpu.memory_space<hbm>>
      %dma_start3A_15 = tpu.memref_squeeze %dma_start3A_14 : memref<1x1x10112xf32, #tpu.memory_space<hbm>> -> memref<1x10112xf32, #tpu.memory_space<hbm>>
      %dma_start3A_16 = arith.constant 0 : i32
      %dma_start3A_17 = arith.constant 0 : i32
      %dma_start3A_18 = tpu.memref_slice %arg5[%add3A, %dma_start3A_16, %dma_start3A_17] : memref<32x1x10112xf32, #tpu.memory_space<hbm>> -> memref<1x1x10112xf32, #tpu.memory_space<hbm>>
      %dma_start3A_19 = tpu.memref_squeeze %dma_start3A_18 : memref<1x1x10112xf32, #tpu.memory_space<hbm>> -> memref<1x10112xf32, #tpu.memory_space<hbm>>
      tpu.enqueue_dma source(%arg9 : memref<1x10112xf32, #tpu.memory_space<vmem>>) target(%dma_start3A_19 : memref<1x10112xf32, #tpu.memory_space<hbm>>) target_semaphore(%run_scoped3A : memref<!tpu.dma_semaphore, #tpu.memory_space<semaphore_mem>>)
      %dma_wait3A = arith.constant 0 : i32
      %dma_wait3A_20 = arith.constant 0 : i32
      %dma_wait3A_21 = tpu.memref_slice %arg5[%add3A, %dma_wait3A, %dma_wait3A_20] : memref<32x1x10112xf32, #tpu.memory_space<hbm>> -> memref<1x1x10112xf32, #tpu.memory_space<hbm>>
      %dma_wait3A_22 = tpu.memref_squeeze %dma_wait3A_21 : memref<1x1x10112xf32, #tpu.memory_space<hbm>> -> memref<1x10112xf32, #tpu.memory_space<hbm>>
      %dma_wait3A_23 = arith.constant 0 : i32
      %dma_wait3A_24 = arith.constant 0 : i32
      %dma_wait3A_25 = tpu.memref_slice %arg5[%add3A, %dma_wait3A_23, %dma_wait3A_24] : memref<32x1x10112xf32, #tpu.memory_space<hbm>> -> memref<1x1x10112xf32, #tpu.memory_space<hbm>>
      %dma_wait3A_26 = tpu.memref_squeeze %dma_wait3A_25 : memref<1x1x10112xf32, #tpu.memory_space<hbm>> -> memref<1x10112xf32, #tpu.memory_space<hbm>>
      tpu.wait_dma2 semaphore(%run_scoped3A : memref<!tpu.dma_semaphore, #tpu.memory_space<semaphore_mem>>) src(%arg9 : memref<1x10112xf32, #tpu.memory_space<vmem>>) dst(%dma_wait3A_26 : memref<1x10112xf32, #tpu.memory_space<hbm>>)
      tpu.yield
    }) : () -> ()
    return
  }
}

#map = affine_map<(d0, d1) -> (0, 0)>
#map1 = affine_map<(d0, d1) -> (0, 0, 0)>
module attributes {stable_mosaic.version = 14 : i64} {
  func.func @_prop_wide_body(%arg0: i32, %arg1: i32, %arg2: memref<10112x128xf32, #tpu.memory_space<hbm>>, %arg3: memref<32x79x128xi32, #tpu.memory_space<hbm>>, %arg4: memref<32x79x128xi32, #tpu.memory_space<hbm>>, %arg5: memref<2x10112x128xf32, #tpu.memory_space<hbm>>, %arg6: memref<79x128xi32, #tpu.memory_space<vmem>>, %arg7: memref<79x128xi32, #tpu.memory_space<vmem>>, %arg8: memref<128x128xf32, #tpu.memory_space<vmem>>, %arg9: memref<10112x128xf32, #tpu.memory_space<vmem_shared>>, %arg10: memref<!tpu.dma_semaphore, #tpu.memory_space<semaphore_mem>>) attributes {dimension_semantics = [#tpu.dimension_semantics<core_parallel>, #tpu.dimension_semantics<subcore_parallel>], iteration_bounds = array<i64: 2, 16>, scalar_prefetch = 0 : i64, scratch_operands = 5 : i64, tpu.core_type = #tpu.core_type<sc_vector_subcore>, window_params = [{transform_indices = #map}, {transform_indices = #map1}, {transform_indices = #map1}, {transform_indices = #map1}]} {
    %mul3A = arith.constant 16 : i32
    %mul3A_0 = arith.muli %arg0, %mul3A : i32
    %add3A = arith.addi %mul3A_0, %arg1 : i32
    "tpu.region"() ({
      %run_scoped3A = tpu.sem_alloc : memref<!tpu.dma_semaphore, #tpu.memory_space<semaphore_mem>>
      %dma_start3A = arith.constant 0 : i32
      %dma_start3A_26 = arith.constant 0 : i32
      %dma_start3A_27 = tpu.memref_slice %arg3[%add3A, %dma_start3A, %dma_start3A_26] : memref<32x79x128xi32, #tpu.memory_space<hbm>> -> memref<1x79x128xi32, #tpu.memory_space<hbm>>
      %dma_start3A_28 = tpu.memref_squeeze %dma_start3A_27 : memref<1x79x128xi32, #tpu.memory_space<hbm>> -> memref<79x128xi32, #tpu.memory_space<hbm>>
      %dma_start3A_29 = arith.constant 0 : i32
      %dma_start3A_30 = arith.constant 0 : i32
      %dma_start3A_31 = tpu.memref_slice %arg3[%add3A, %dma_start3A_29, %dma_start3A_30] : memref<32x79x128xi32, #tpu.memory_space<hbm>> -> memref<1x79x128xi32, #tpu.memory_space<hbm>>
      %dma_start3A_32 = tpu.memref_squeeze %dma_start3A_31 : memref<1x79x128xi32, #tpu.memory_space<hbm>> -> memref<79x128xi32, #tpu.memory_space<hbm>>
      tpu.enqueue_dma source(%dma_start3A_32 : memref<79x128xi32, #tpu.memory_space<hbm>>) target(%arg6 : memref<79x128xi32, #tpu.memory_space<vmem>>) target_semaphore(%run_scoped3A : memref<!tpu.dma_semaphore, #tpu.memory_space<semaphore_mem>>)
      %dma_wait3A = arith.constant 0 : i32
      %dma_wait3A_33 = arith.constant 0 : i32
      %dma_wait3A_34 = tpu.memref_slice %arg3[%add3A, %dma_wait3A, %dma_wait3A_33] : memref<32x79x128xi32, #tpu.memory_space<hbm>> -> memref<1x79x128xi32, #tpu.memory_space<hbm>>
      %dma_wait3A_35 = tpu.memref_squeeze %dma_wait3A_34 : memref<1x79x128xi32, #tpu.memory_space<hbm>> -> memref<79x128xi32, #tpu.memory_space<hbm>>
      %dma_wait3A_36 = arith.constant 0 : i32
      %dma_wait3A_37 = arith.constant 0 : i32
      %dma_wait3A_38 = tpu.memref_slice %arg3[%add3A, %dma_wait3A_36, %dma_wait3A_37] : memref<32x79x128xi32, #tpu.memory_space<hbm>> -> memref<1x79x128xi32, #tpu.memory_space<hbm>>
      %dma_wait3A_39 = tpu.memref_squeeze %dma_wait3A_38 : memref<1x79x128xi32, #tpu.memory_space<hbm>> -> memref<79x128xi32, #tpu.memory_space<hbm>>
      tpu.wait_dma2 semaphore(%run_scoped3A : memref<!tpu.dma_semaphore, #tpu.memory_space<semaphore_mem>>) src(%dma_wait3A_39 : memref<79x128xi32, #tpu.memory_space<hbm>>) dst(%arg6 : memref<79x128xi32, #tpu.memory_space<vmem>>)
      tpu.yield
    }) : () -> ()
    "tpu.region"() ({
      %run_scoped3A = tpu.sem_alloc : memref<!tpu.dma_semaphore, #tpu.memory_space<semaphore_mem>>
      %dma_start3A = arith.constant 0 : i32
      %dma_start3A_26 = arith.constant 0 : i32
      %dma_start3A_27 = tpu.memref_slice %arg4[%add3A, %dma_start3A, %dma_start3A_26] : memref<32x79x128xi32, #tpu.memory_space<hbm>> -> memref<1x79x128xi32, #tpu.memory_space<hbm>>
      %dma_start3A_28 = tpu.memref_squeeze %dma_start3A_27 : memref<1x79x128xi32, #tpu.memory_space<hbm>> -> memref<79x128xi32, #tpu.memory_space<hbm>>
      %dma_start3A_29 = arith.constant 0 : i32
      %dma_start3A_30 = arith.constant 0 : i32
      %dma_start3A_31 = tpu.memref_slice %arg4[%add3A, %dma_start3A_29, %dma_start3A_30] : memref<32x79x128xi32, #tpu.memory_space<hbm>> -> memref<1x79x128xi32, #tpu.memory_space<hbm>>
      %dma_start3A_32 = tpu.memref_squeeze %dma_start3A_31 : memref<1x79x128xi32, #tpu.memory_space<hbm>> -> memref<79x128xi32, #tpu.memory_space<hbm>>
      tpu.enqueue_dma source(%dma_start3A_32 : memref<79x128xi32, #tpu.memory_space<hbm>>) target(%arg7 : memref<79x128xi32, #tpu.memory_space<vmem>>) target_semaphore(%run_scoped3A : memref<!tpu.dma_semaphore, #tpu.memory_space<semaphore_mem>>)
      %dma_wait3A = arith.constant 0 : i32
      %dma_wait3A_33 = arith.constant 0 : i32
      %dma_wait3A_34 = tpu.memref_slice %arg4[%add3A, %dma_wait3A, %dma_wait3A_33] : memref<32x79x128xi32, #tpu.memory_space<hbm>> -> memref<1x79x128xi32, #tpu.memory_space<hbm>>
      %dma_wait3A_35 = tpu.memref_squeeze %dma_wait3A_34 : memref<1x79x128xi32, #tpu.memory_space<hbm>> -> memref<79x128xi32, #tpu.memory_space<hbm>>
      %dma_wait3A_36 = arith.constant 0 : i32
      %dma_wait3A_37 = arith.constant 0 : i32
      %dma_wait3A_38 = tpu.memref_slice %arg4[%add3A, %dma_wait3A_36, %dma_wait3A_37] : memref<32x79x128xi32, #tpu.memory_space<hbm>> -> memref<1x79x128xi32, #tpu.memory_space<hbm>>
      %dma_wait3A_39 = tpu.memref_squeeze %dma_wait3A_38 : memref<1x79x128xi32, #tpu.memory_space<hbm>> -> memref<79x128xi32, #tpu.memory_space<hbm>>
      tpu.wait_dma2 semaphore(%run_scoped3A : memref<!tpu.dma_semaphore, #tpu.memory_space<semaphore_mem>>) src(%dma_wait3A_39 : memref<79x128xi32, #tpu.memory_space<hbm>>) dst(%arg7 : memref<79x128xi32, #tpu.memory_space<vmem>>)
      tpu.yield
    }) : () -> ()
    %scan3A = arith.constant 0 : i32
    %scan3A_1 = arith.constant 0 : i32
    %scan3A_2 = arith.constant 128 : i32
    %scan3A_3 = arith.addi %scan3A_1, %scan3A_2 : i32
    %scan3A_4 = arith.constant 1 : i32
    scf.for %scan3A_26 = %scan3A_1 to %scan3A_3 step %scan3A_4  : i32 {
      %broadcast_in_dim3A = arith.constant 0.000000e+00 : f32
      %broadcast_in_dim3A_27 = vector.broadcast %broadcast_in_dim3A : f32 to vector<16xf32>
      %swap3A = arith.index_cast %scan3A_26 : i32 to index
      %swap3A_28 = arith.constant 0 : index
      %swap3A_29 = tpu.vector_load %arg8[%swap3A, %swap3A_28] {strides = array<i32>} : memref<128x128xf32, #tpu.memory_space<vmem>>, vector<16xf32>,
      tpu.vector_store %arg8[%swap3A, %swap3A_28], %broadcast_in_dim3A_27 {strides = array<i32>} : memref<128x128xf32, #tpu.memory_space<vmem>>, vector<16xf32>,
      %broadcast_in_dim3A_30 = arith.constant 0.000000e+00 : f32
      %broadcast_in_dim3A_31 = vector.broadcast %broadcast_in_dim3A_30 : f32 to vector<16xf32>
      %swap3A_32 = arith.index_cast %scan3A_26 : i32 to index
      %swap3A_33 = arith.constant 16 : index
      %swap3A_34 = tpu.vector_load %arg8[%swap3A_32, %swap3A_33] {strides = array<i32>} : memref<128x128xf32, #tpu.memory_space<vmem>>, vector<16xf32>,
      tpu.vector_store %arg8[%swap3A_32, %swap3A_33], %broadcast_in_dim3A_31 {strides = array<i32>} : memref<128x128xf32, #tpu.memory_space<vmem>>, vector<16xf32>,
      %broadcast_in_dim3A_35 = arith.constant 0.000000e+00 : f32
      %broadcast_in_dim3A_36 = vector.broadcast %broadcast_in_dim3A_35 : f32 to vector<16xf32>
      %swap3A_37 = arith.index_cast %scan3A_26 : i32 to index
      %swap3A_38 = arith.constant 32 : index
      %swap3A_39 = tpu.vector_load %arg8[%swap3A_37, %swap3A_38] {strides = array<i32>} : memref<128x128xf32, #tpu.memory_space<vmem>>, vector<16xf32>,
      tpu.vector_store %arg8[%swap3A_37, %swap3A_38], %broadcast_in_dim3A_36 {strides = array<i32>} : memref<128x128xf32, #tpu.memory_space<vmem>>, vector<16xf32>,
      %broadcast_in_dim3A_40 = arith.constant 0.000000e+00 : f32
      %broadcast_in_dim3A_41 = vector.broadcast %broadcast_in_dim3A_40 : f32 to vector<16xf32>
      %swap3A_42 = arith.index_cast %scan3A_26 : i32 to index
      %swap3A_43 = arith.constant 48 : index
      %swap3A_44 = tpu.vector_load %arg8[%swap3A_42, %swap3A_43] {strides = array<i32>} : memref<128x128xf32, #tpu.memory_space<vmem>>, vector<16xf32>,
      tpu.vector_store %arg8[%swap3A_42, %swap3A_43], %broadcast_in_dim3A_41 {strides = array<i32>} : memref<128x128xf32, #tpu.memory_space<vmem>>, vector<16xf32>,
      %broadcast_in_dim3A_45 = arith.constant 0.000000e+00 : f32
      %broadcast_in_dim3A_46 = vector.broadcast %broadcast_in_dim3A_45 : f32 to vector<16xf32>
      %swap3A_47 = arith.index_cast %scan3A_26 : i32 to index
      %swap3A_48 = arith.constant 64 : index
      %swap3A_49 = tpu.vector_load %arg8[%swap3A_47, %swap3A_48] {strides = array<i32>} : memref<128x128xf32, #tpu.memory_space<vmem>>, vector<16xf32>,
      tpu.vector_store %arg8[%swap3A_47, %swap3A_48], %broadcast_in_dim3A_46 {strides = array<i32>} : memref<128x128xf32, #tpu.memory_space<vmem>>, vector<16xf32>,
      %broadcast_in_dim3A_50 = arith.constant 0.000000e+00 : f32
      %broadcast_in_dim3A_51 = vector.broadcast %broadcast_in_dim3A_50 : f32 to vector<16xf32>
      %swap3A_52 = arith.index_cast %scan3A_26 : i32 to index
      %swap3A_53 = arith.constant 80 : index
      %swap3A_54 = tpu.vector_load %arg8[%swap3A_52, %swap3A_53] {strides = array<i32>} : memref<128x128xf32, #tpu.memory_space<vmem>>, vector<16xf32>,
      tpu.vector_store %arg8[%swap3A_52, %swap3A_53], %broadcast_in_dim3A_51 {strides = array<i32>} : memref<128x128xf32, #tpu.memory_space<vmem>>, vector<16xf32>,
      %broadcast_in_dim3A_55 = arith.constant 0.000000e+00 : f32
      %broadcast_in_dim3A_56 = vector.broadcast %broadcast_in_dim3A_55 : f32 to vector<16xf32>
      %swap3A_57 = arith.index_cast %scan3A_26 : i32 to index
      %swap3A_58 = arith.constant 96 : index
      %swap3A_59 = tpu.vector_load %arg8[%swap3A_57, %swap3A_58] {strides = array<i32>} : memref<128x128xf32, #tpu.memory_space<vmem>>, vector<16xf32>,
      tpu.vector_store %arg8[%swap3A_57, %swap3A_58], %broadcast_in_dim3A_56 {strides = array<i32>} : memref<128x128xf32, #tpu.memory_space<vmem>>, vector<16xf32>,
      %broadcast_in_dim3A_60 = arith.constant 0.000000e+00 : f32
      %broadcast_in_dim3A_61 = vector.broadcast %broadcast_in_dim3A_60 : f32 to vector<16xf32>
      %swap3A_62 = arith.index_cast %scan3A_26 : i32 to index
      %swap3A_63 = arith.constant 112 : index
      %swap3A_64 = tpu.vector_load %arg8[%swap3A_62, %swap3A_63] {strides = array<i32>} : memref<128x128xf32, #tpu.memory_space<vmem>>, vector<16xf32>,
      tpu.vector_store %arg8[%swap3A_62, %swap3A_63], %broadcast_in_dim3A_61 {strides = array<i32>} : memref<128x128xf32, #tpu.memory_space<vmem>>, vector<16xf32>,
    }
    %scan3A_5 = arith.constant 128 : i32
    %mul3A_6 = arith.constant 632 : i32
    %mul3A_7 = arith.muli %arg1, %mul3A_6 : i32
    %add3A_8 = arith.constant 0 : i32
    %add3A_9 = arith.addi %mul3A_7, %add3A_8 : i32
    "tpu.region"() ({
      %run_scoped3A = tpu.sem_alloc : memref<!tpu.dma_semaphore, #tpu.memory_space<semaphore_mem>>
      %dma_start3A = arith.constant 0 : i32
      %dma_start3A_26 = tpu.memref_slice %arg9[%add3A_9, %dma_start3A] : memref<10112x128xf32, #tpu.memory_space<vmem_shared>> -> memref<128x128xf32, #tpu.memory_space<vmem_shared>>
      %dma_start3A_27 = arith.constant 0 : i32
      %dma_start3A_28 = tpu.memref_slice %arg9[%add3A_9, %dma_start3A_27] : memref<10112x128xf32, #tpu.memory_space<vmem_shared>> -> memref<128x128xf32, #tpu.memory_space<vmem_shared>>
      tpu.enqueue_dma source(%arg8 : memref<128x128xf32, #tpu.memory_space<vmem>>) target(%dma_start3A_28 : memref<128x128xf32, #tpu.memory_space<vmem_shared>>) target_semaphore(%run_scoped3A : memref<!tpu.dma_semaphore, #tpu.memory_space<semaphore_mem>>)
      %dma_wait3A = arith.constant 0 : i32
      %dma_wait3A_29 = tpu.memref_slice %arg9[%add3A_9, %dma_wait3A] : memref<10112x128xf32, #tpu.memory_space<vmem_shared>> -> memref<128x128xf32, #tpu.memory_space<vmem_shared>>
      %dma_wait3A_30 = arith.constant 0 : i32
      %dma_wait3A_31 = tpu.memref_slice %arg9[%add3A_9, %dma_wait3A_30] : memref<10112x128xf32, #tpu.memory_space<vmem_shared>> -> memref<128x128xf32, #tpu.memory_space<vmem_shared>>
      tpu.wait_dma2 semaphore(%run_scoped3A : memref<!tpu.dma_semaphore, #tpu.memory_space<semaphore_mem>>) src(%arg8 : memref<128x128xf32, #tpu.memory_space<vmem>>) dst(%dma_wait3A_31 : memref<128x128xf32, #tpu.memory_space<vmem_shared>>)
      tpu.yield
    }) : () -> ()
    %add3A_10 = arith.constant 128 : i32
    %add3A_11 = arith.addi %mul3A_7, %add3A_10 : i32
    "tpu.region"() ({
      %run_scoped3A = tpu.sem_alloc : memref<!tpu.dma_semaphore, #tpu.memory_space<semaphore_mem>>
      %dma_start3A = arith.constant 0 : i32
      %dma_start3A_26 = tpu.memref_slice %arg9[%add3A_11, %dma_start3A] : memref<10112x128xf32, #tpu.memory_space<vmem_shared>> -> memref<128x128xf32, #tpu.memory_space<vmem_shared>>
      %dma_start3A_27 = arith.constant 0 : i32
      %dma_start3A_28 = tpu.memref_slice %arg9[%add3A_11, %dma_start3A_27] : memref<10112x128xf32, #tpu.memory_space<vmem_shared>> -> memref<128x128xf32, #tpu.memory_space<vmem_shared>>
      tpu.enqueue_dma source(%arg8 : memref<128x128xf32, #tpu.memory_space<vmem>>) target(%dma_start3A_28 : memref<128x128xf32, #tpu.memory_space<vmem_shared>>) target_semaphore(%run_scoped3A : memref<!tpu.dma_semaphore, #tpu.memory_space<semaphore_mem>>)
      %dma_wait3A = arith.constant 0 : i32
      %dma_wait3A_29 = tpu.memref_slice %arg9[%add3A_11, %dma_wait3A] : memref<10112x128xf32, #tpu.memory_space<vmem_shared>> -> memref<128x128xf32, #tpu.memory_space<vmem_shared>>
      %dma_wait3A_30 = arith.constant 0 : i32
      %dma_wait3A_31 = tpu.memref_slice %arg9[%add3A_11, %dma_wait3A_30] : memref<10112x128xf32, #tpu.memory_space<vmem_shared>> -> memref<128x128xf32, #tpu.memory_space<vmem_shared>>
      tpu.wait_dma2 semaphore(%run_scoped3A : memref<!tpu.dma_semaphore, #tpu.memory_space<semaphore_mem>>) src(%arg8 : memref<128x128xf32, #tpu.memory_space<vmem>>) dst(%dma_wait3A_31 : memref<128x128xf32, #tpu.memory_space<vmem_shared>>)
      tpu.yield
    }) : () -> ()
    %add3A_12 = arith.constant 256 : i32
    %add3A_13 = arith.addi %mul3A_7, %add3A_12 : i32
    "tpu.region"() ({
      %run_scoped3A = tpu.sem_alloc : memref<!tpu.dma_semaphore, #tpu.memory_space<semaphore_mem>>
      %dma_start3A = arith.constant 0 : i32
      %dma_start3A_26 = tpu.memref_slice %arg9[%add3A_13, %dma_start3A] : memref<10112x128xf32, #tpu.memory_space<vmem_shared>> -> memref<128x128xf32, #tpu.memory_space<vmem_shared>>
      %dma_start3A_27 = arith.constant 0 : i32
      %dma_start3A_28 = tpu.memref_slice %arg9[%add3A_13, %dma_start3A_27] : memref<10112x128xf32, #tpu.memory_space<vmem_shared>> -> memref<128x128xf32, #tpu.memory_space<vmem_shared>>
      tpu.enqueue_dma source(%arg8 : memref<128x128xf32, #tpu.memory_space<vmem>>) target(%dma_start3A_28 : memref<128x128xf32, #tpu.memory_space<vmem_shared>>) target_semaphore(%run_scoped3A : memref<!tpu.dma_semaphore, #tpu.memory_space<semaphore_mem>>)
      %dma_wait3A = arith.constant 0 : i32
      %dma_wait3A_29 = tpu.memref_slice %arg9[%add3A_13, %dma_wait3A] : memref<10112x128xf32, #tpu.memory_space<vmem_shared>> -> memref<128x128xf32, #tpu.memory_space<vmem_shared>>
      %dma_wait3A_30 = arith.constant 0 : i32
      %dma_wait3A_31 = tpu.memref_slice %arg9[%add3A_13, %dma_wait3A_30] : memref<10112x128xf32, #tpu.memory_space<vmem_shared>> -> memref<128x128xf32, #tpu.memory_space<vmem_shared>>
      tpu.wait_dma2 semaphore(%run_scoped3A : memref<!tpu.dma_semaphore, #tpu.memory_space<semaphore_mem>>) src(%arg8 : memref<128x128xf32, #tpu.memory_space<vmem>>) dst(%dma_wait3A_31 : memref<128x128xf32, #tpu.memory_space<vmem_shared>>)
      tpu.yield
    }) : () -> ()
    %add3A_14 = arith.constant 384 : i32
    %add3A_15 = arith.addi %mul3A_7, %add3A_14 : i32
    "tpu.region"() ({
      %run_scoped3A = tpu.sem_alloc : memref<!tpu.dma_semaphore, #tpu.memory_space<semaphore_mem>>
      %dma_start3A = arith.constant 0 : i32
      %dma_start3A_26 = tpu.memref_slice %arg9[%add3A_15, %dma_start3A] : memref<10112x128xf32, #tpu.memory_space<vmem_shared>> -> memref<128x128xf32, #tpu.memory_space<vmem_shared>>
      %dma_start3A_27 = arith.constant 0 : i32
      %dma_start3A_28 = tpu.memref_slice %arg9[%add3A_15, %dma_start3A_27] : memref<10112x128xf32, #tpu.memory_space<vmem_shared>> -> memref<128x128xf32, #tpu.memory_space<vmem_shared>>
      tpu.enqueue_dma source(%arg8 : memref<128x128xf32, #tpu.memory_space<vmem>>) target(%dma_start3A_28 : memref<128x128xf32, #tpu.memory_space<vmem_shared>>) target_semaphore(%run_scoped3A : memref<!tpu.dma_semaphore, #tpu.memory_space<semaphore_mem>>)
      %dma_wait3A = arith.constant 0 : i32
      %dma_wait3A_29 = tpu.memref_slice %arg9[%add3A_15, %dma_wait3A] : memref<10112x128xf32, #tpu.memory_space<vmem_shared>> -> memref<128x128xf32, #tpu.memory_space<vmem_shared>>
      %dma_wait3A_30 = arith.constant 0 : i32
      %dma_wait3A_31 = tpu.memref_slice %arg9[%add3A_15, %dma_wait3A_30] : memref<10112x128xf32, #tpu.memory_space<vmem_shared>> -> memref<128x128xf32, #tpu.memory_space<vmem_shared>>
      tpu.wait_dma2 semaphore(%run_scoped3A : memref<!tpu.dma_semaphore, #tpu.memory_space<semaphore_mem>>) src(%arg8 : memref<128x128xf32, #tpu.memory_space<vmem>>) dst(%dma_wait3A_31 : memref<128x128xf32, #tpu.memory_space<vmem_shared>>)
      tpu.yield
    }) : () -> ()
    %add3A_16 = arith.constant 632 : i32
    %add3A_17 = arith.addi %mul3A_7, %add3A_16 : i32
    %sub3A = arith.constant 120 : i32
    %sub3A_18 = arith.subi %add3A_17, %sub3A : i32
    "tpu.region"() ({
      %run_scoped3A = tpu.sem_alloc : memref<!tpu.dma_semaphore, #tpu.memory_space<semaphore_mem>>
      %dma_start3A = arith.constant 0 : i32
      %dma_start3A_26 = arith.constant 0 : i32
      %dma_start3A_27 = tpu.memref_slice %arg8[%dma_start3A, %dma_start3A_26] : memref<128x128xf32, #tpu.memory_space<vmem>> -> memref<120x128xf32, #tpu.memory_space<vmem>>
      %dma_start3A_28 = arith.constant 0 : i32
      %dma_start3A_29 = tpu.memref_slice %arg9[%sub3A_18, %dma_start3A_28] : memref<10112x128xf32, #tpu.memory_space<vmem_shared>> -> memref<120x128xf32, #tpu.memory_space<vmem_shared>>
      %dma_start3A_30 = arith.constant 0 : i32
      %dma_start3A_31 = tpu.memref_slice %arg9[%sub3A_18, %dma_start3A_30] : memref<10112x128xf32, #tpu.memory_space<vmem_shared>> -> memref<120x128xf32, #tpu.memory_space<vmem_shared>>
      %dma_start3A_32 = arith.constant 0 : i32
      %dma_start3A_33 = arith.constant 0 : i32
      %dma_start3A_34 = tpu.memref_slice %arg8[%dma_start3A_32, %dma_start3A_33] : memref<128x128xf32, #tpu.memory_space<vmem>> -> memref<120x128xf32, #tpu.memory_space<vmem>>
      tpu.enqueue_dma source(%dma_start3A_34 : memref<120x128xf32, #tpu.memory_space<vmem>>) target(%dma_start3A_31 : memref<120x128xf32, #tpu.memory_space<vmem_shared>>) target_semaphore(%run_scoped3A : memref<!tpu.dma_semaphore, #tpu.memory_space<semaphore_mem>>)
      %dma_wait3A = arith.constant 0 : i32
      %dma_wait3A_35 = arith.constant 0 : i32
      %dma_wait3A_36 = tpu.memref_slice %arg8[%dma_wait3A, %dma_wait3A_35] : memref<128x128xf32, #tpu.memory_space<vmem>> -> memref<120x128xf32, #tpu.memory_space<vmem>>
      %dma_wait3A_37 = arith.constant 0 : i32
      %dma_wait3A_38 = tpu.memref_slice %arg9[%sub3A_18, %dma_wait3A_37] : memref<10112x128xf32, #tpu.memory_space<vmem_shared>> -> memref<120x128xf32, #tpu.memory_space<vmem_shared>>
      %dma_wait3A_39 = arith.constant 0 : i32
      %dma_wait3A_40 = tpu.memref_slice %arg9[%sub3A_18, %dma_wait3A_39] : memref<10112x128xf32, #tpu.memory_space<vmem_shared>> -> memref<120x128xf32, #tpu.memory_space<vmem_shared>>
      %dma_wait3A_41 = arith.constant 0 : i32
      %dma_wait3A_42 = arith.constant 0 : i32
      %dma_wait3A_43 = tpu.memref_slice %arg8[%dma_wait3A_41, %dma_wait3A_42] : memref<128x128xf32, #tpu.memory_space<vmem>> -> memref<120x128xf32, #tpu.memory_space<vmem>>
      tpu.wait_dma2 semaphore(%run_scoped3A : memref<!tpu.dma_semaphore, #tpu.memory_space<semaphore_mem>>) src(%dma_wait3A_43 : memref<120x128xf32, #tpu.memory_space<vmem>>) dst(%dma_wait3A_40 : memref<120x128xf32, #tpu.memory_space<vmem_shared>>)
      tpu.yield
    }) : () -> ()
    %barrier3A = arith.constant 0 : index
    tpu.barrier barrier_id(%barrier3A)
    %scan3A_19 = arith.constant 0 : i32
    %scan3A_20 = arith.constant 0 : i32
    %scan3A_21 = arith.constant 79 : i32
    %scan3A_22 = arith.addi %scan3A_20, %scan3A_21 : i32
    %scan3A_23 = arith.constant 1 : i32
    scf.for %scan3A_26 = %scan3A_20 to %scan3A_22 step %scan3A_23  : i32 {
      "tpu.region"() ({
        %run_scoped3A = tpu.sem_alloc : memref<!tpu.dma_semaphore, #tpu.memory_space<semaphore_mem>>
        %dma_start3A = arith.constant 0 : i32
        %dma_start3A_27 = tpu.memref_slice %arg6[%scan3A_26, %dma_start3A] : memref<79x128xi32, #tpu.memory_space<vmem>> -> memref<1x128xi32, #tpu.memory_space<vmem>>
        %dma_start3A_28 = tpu.memref_squeeze %dma_start3A_27 : memref<1x128xi32, #tpu.memory_space<vmem>> -> memref<128xi32, #tpu.memory_space<vmem>>
        %dma_start3A_29 = arith.constant 0 : i32
        %dma_start3A_30 = arith.constant 0 : i32
        %dma_start3A_31 = tpu.memref_slice %arg2[%dma_start3A_29, %dma_start3A_30] : memref<10112x128xf32, #tpu.memory_space<hbm>> -> memref<10112x128xf32, #tpu.memory_space<hbm>>
        tpu.enqueue_indirect_dma source(%dma_start3A_31 : memref<10112x128xf32, #tpu.memory_space<hbm>>) target(%arg8 : memref<128x128xf32, #tpu.memory_space<vmem>>) offsets(%dma_start3A_28 : memref<128xi32, #tpu.memory_space<vmem>>) semaphore(%run_scoped3A : memref<!tpu.dma_semaphore, #tpu.memory_space<semaphore_mem>>)
        %dma_wait3A = arith.constant 0 : i32
        %dma_wait3A_32 = tpu.memref_slice %arg6[%scan3A_26, %dma_wait3A] : memref<79x128xi32, #tpu.memory_space<vmem>> -> memref<1x128xi32, #tpu.memory_space<vmem>>
        %dma_wait3A_33 = tpu.memref_squeeze %dma_wait3A_32 : memref<1x128xi32, #tpu.memory_space<vmem>> -> memref<128xi32, #tpu.memory_space<vmem>>
        %dma_wait3A_34 = arith.constant 0 : i32
        %dma_wait3A_35 = arith.constant 0 : i32
        %dma_wait3A_36 = tpu.memref_slice %arg2[%dma_wait3A_34, %dma_wait3A_35] : memref<10112x128xf32, #tpu.memory_space<hbm>> -> memref<10112x128xf32, #tpu.memory_space<hbm>>
        tpu.wait_indirect_dma semaphore(%run_scoped3A : memref<!tpu.dma_semaphore, #tpu.memory_space<semaphore_mem>>) src(%dma_wait3A_36 : memref<10112x128xf32, #tpu.memory_space<hbm>>) dst(%arg8 : memref<128x128xf32, #tpu.memory_space<vmem>>)
        tpu.yield
      }) : () -> ()
      "tpu.region"() ({
        %run_scoped3A = tpu.sem_alloc : memref<!tpu.dma_semaphore, #tpu.memory_space<semaphore_mem>>
        %dma_start3A = arith.constant 0 : i32
        %dma_start3A_27 = tpu.memref_slice %arg7[%scan3A_26, %dma_start3A] : memref<79x128xi32, #tpu.memory_space<vmem>> -> memref<1x128xi32, #tpu.memory_space<vmem>>
        %dma_start3A_28 = tpu.memref_squeeze %dma_start3A_27 : memref<1x128xi32, #tpu.memory_space<vmem>> -> memref<128xi32, #tpu.memory_space<vmem>>
        %dma_start3A_29 = arith.constant 0 : i32
        %dma_start3A_30 = arith.constant 0 : i32
        %dma_start3A_31 = tpu.memref_slice %arg9[%dma_start3A_29, %dma_start3A_30] : memref<10112x128xf32, #tpu.memory_space<vmem_shared>> -> memref<10112x128xf32, #tpu.memory_space<vmem_shared>>
        tpu.enqueue_indirect_dma source(%arg8 : memref<128x128xf32, #tpu.memory_space<vmem>>) target(%dma_start3A_31 : memref<10112x128xf32, #tpu.memory_space<vmem_shared>>) offsets(%dma_start3A_28 : memref<128xi32, #tpu.memory_space<vmem>>) semaphore(%run_scoped3A : memref<!tpu.dma_semaphore, #tpu.memory_space<semaphore_mem>>) {add = true}
        %dma_wait3A = arith.constant 0 : i32
        %dma_wait3A_32 = tpu.memref_slice %arg7[%scan3A_26, %dma_wait3A] : memref<79x128xi32, #tpu.memory_space<vmem>> -> memref<1x128xi32, #tpu.memory_space<vmem>>
        %dma_wait3A_33 = tpu.memref_squeeze %dma_wait3A_32 : memref<1x128xi32, #tpu.memory_space<vmem>> -> memref<128xi32, #tpu.memory_space<vmem>>
        %dma_wait3A_34 = arith.constant 0 : i32
        %dma_wait3A_35 = arith.constant 0 : i32
        %dma_wait3A_36 = tpu.memref_slice %arg9[%dma_wait3A_34, %dma_wait3A_35] : memref<10112x128xf32, #tpu.memory_space<vmem_shared>> -> memref<10112x128xf32, #tpu.memory_space<vmem_shared>>
        tpu.wait_indirect_dma semaphore(%run_scoped3A : memref<!tpu.dma_semaphore, #tpu.memory_space<semaphore_mem>>) src(%arg8 : memref<128x128xf32, #tpu.memory_space<vmem>>) dst(%dma_wait3A_36 : memref<10112x128xf32, #tpu.memory_space<vmem_shared>>)
        tpu.yield
      }) : () -> ()
    }
    %scan3A_24 = arith.constant 79 : i32
    %barrier3A_25 = arith.constant 0 : index
    tpu.barrier barrier_id(%barrier3A_25)
    "tpu.region"() ({
      %run_scoped3A = tpu.sem_alloc : memref<!tpu.dma_semaphore, #tpu.memory_space<semaphore_mem>>
      %dma_start3A = arith.constant 0 : i32
      %dma_start3A_26 = arith.constant 0 : i32
      %dma_start3A_27 = tpu.memref_slice %arg5[%arg0, %dma_start3A, %dma_start3A_26] : memref<2x10112x128xf32, #tpu.memory_space<hbm>> -> memref<1x10112x128xf32, #tpu.memory_space<hbm>>
      %dma_start3A_28 = tpu.memref_squeeze %dma_start3A_27 : memref<1x10112x128xf32, #tpu.memory_space<hbm>> -> memref<10112x128xf32, #tpu.memory_space<hbm>>
      %dma_start3A_29 = arith.constant 0 : i32
      %dma_start3A_30 = tpu.memref_slice %dma_start3A_28[%mul3A_7, %dma_start3A_29] : memref<10112x128xf32, #tpu.memory_space<hbm>> -> memref<632x128xf32, #tpu.memory_space<hbm>>
      %dma_start3A_31 = arith.constant 0 : i32
      %dma_start3A_32 = tpu.memref_slice %arg9[%mul3A_7, %dma_start3A_31] : memref<10112x128xf32, #tpu.memory_space<vmem_shared>> -> memref<632x128xf32, #tpu.memory_space<vmem_shared>>
      tpu.enqueue_dma source(%dma_start3A_32 : memref<632x128xf32, #tpu.memory_space<vmem_shared>>) target(%dma_start3A_30 : memref<632x128xf32, #tpu.memory_space<hbm>>) target_semaphore(%run_scoped3A : memref<!tpu.dma_semaphore, #tpu.memory_space<semaphore_mem>>)
      %dma_wait3A = arith.constant 0 : i32
      %dma_wait3A_33 = arith.constant 0 : i32
      %dma_wait3A_34 = tpu.memref_slice %arg5[%arg0, %dma_wait3A, %dma_wait3A_33] : memref<2x10112x128xf32, #tpu.memory_space<hbm>> -> memref<1x10112x128xf32, #tpu.memory_space<hbm>>
      %dma_wait3A_35 = tpu.memref_squeeze %dma_wait3A_34 : memref<1x10112x128xf32, #tpu.memory_space<hbm>> -> memref<10112x128xf32, #tpu.memory_space<hbm>>
      %dma_wait3A_36 = arith.constant 0 : i32
      %dma_wait3A_37 = tpu.memref_slice %dma_wait3A_35[%mul3A_7, %dma_wait3A_36] : memref<10112x128xf32, #tpu.memory_space<hbm>> -> memref<632x128xf32, #tpu.memory_space<hbm>>
      %dma_wait3A_38 = arith.constant 0 : i32
      %dma_wait3A_39 = tpu.memref_slice %arg9[%mul3A_7, %dma_wait3A_38] : memref<10112x128xf32, #tpu.memory_space<vmem_shared>> -> memref<632x128xf32, #tpu.memory_space<vmem_shared>>
      tpu.wait_dma2 semaphore(%run_scoped3A : memref<!tpu.dma_semaphore, #tpu.memory_space<semaphore_mem>>) src(%dma_wait3A_39 : memref<632x128xf32, #tpu.memory_space<vmem_shared>>) dst(%dma_wait3A_37 : memref<632x128xf32, #tpu.memory_space<hbm>>)
      tpu.yield
    }) : () -> ()
    return
  }
}

module attributes {stable_mosaic.version = 14 : i64} {
  func.func @_tc1_body(%arg0: memref<10112x128xf32, #tpu.memory_space<vmem>>, %arg1: memref<128x128xf32, #tpu.memory_space<vmem>>, %arg2: memref<32x1x10112xf32, #tpu.memory_space<vmem>>, %arg3: memref<10112x128xf32, #tpu.memory_space<vmem>>, %arg4: memref<10112x1xf32, #tpu.memory_space<vmem>>) attributes {dimension_semantics = [], scalar_prefetch = 0 : i64, scratch_operands = 0 : i64, tpu.core_type = #tpu.core_type<tc>} {
    %get3A = arith.constant 0 : index
    %get3A_0 = arith.constant 0 : index
    %get3A_1 = arith.constant 0 : index
    %get3A_2 = vector.load %arg2[%get3A, %get3A_0, %get3A_1] : memref<32x1x10112xf32, #tpu.memory_space<vmem>>, vector<32x1x10112xf32>
    %reduce_sum3A = arith.constant dense<0.000000e+00> : vector<10112xf32>
    %reduce_sum3A_3 = vector.multi_reduction <add>, %get3A_2, %reduce_sum3A [0, 1] : vector<32x1x10112xf32> to vector<10112xf32>
    %add3A = arith.constant 1.000000e+00 : f32
    %add3A_4 = vector.broadcast %add3A : f32 to vector<10112xf32>
    %add3A_5 = arith.addf %reduce_sum3A_3, %add3A_4 : vector<10112xf32>
    %rsqrt3A = math.rsqrt %add3A_5 : vector<10112xf32>
    %get3A_6 = arith.constant 0 : index
    %get3A_7 = arith.constant 0 : index
    %get3A_8 = vector.load %arg0[%get3A_6, %get3A_7] : memref<10112x128xf32, #tpu.memory_space<vmem>>, vector<10112x128xf32>
    %get3A_9 = arith.constant 0 : index
    %get3A_10 = arith.constant 0 : index
    %get3A_11 = vector.load %arg1[%get3A_9, %get3A_10] : memref<128x128xf32, #tpu.memory_space<vmem>>, vector<128x128xf32>
    %dot_general3A = arith.constant dense<0.000000e+00> : vector<10112x128xf32>
    %dot_general3A_12 = tpu.matmul %get3A_8, %get3A_11, %dot_general3A {dimension_numbers = #tpu.dot_dimension_numbers<[1], [0], [0], [1], [0, 0, 1, 1], [], []>, transpose_lhs_hint = false} : vector<10112x128xf32>, vector<128x128xf32>, vector<10112x128xf32> -> vector<10112x128xf32>
    %broadcast_in_dim3A = vector.shape_cast %rsqrt3A : vector<10112xf32> to vector<10112x1xf32>
    %mul3A = vector.broadcast %broadcast_in_dim3A : vector<10112x1xf32> to vector<10112x128xf32>
    %mul3A_13 = arith.mulf %dot_general3A_12, %mul3A : vector<10112x128xf32>
    %swap3A = arith.constant 0 : index
    %swap3A_14 = arith.constant 0 : index
    %swap3A_15 = vector.load %arg3[%swap3A, %swap3A_14] : memref<10112x128xf32, #tpu.memory_space<vmem>>, vector<10112x128xf32>
    tpu.vector_store %arg3[%swap3A, %swap3A_14], %mul3A_13 {strides = array<i32>} : memref<10112x128xf32, #tpu.memory_space<vmem>>, vector<10112x128xf32>,
    %broadcast_in_dim3A_16 = vector.shape_cast %rsqrt3A : vector<10112xf32> to vector<10112x1xf32>
    %swap3A_17 = arith.constant 0 : index
    %swap3A_18 = arith.constant 0 : index
    %swap3A_19 = vector.load %arg4[%swap3A_17, %swap3A_18] : memref<10112x1xf32, #tpu.memory_space<vmem>>, vector<10112x1xf32>
    tpu.vector_store %arg4[%swap3A_17, %swap3A_18], %broadcast_in_dim3A_16 {strides = array<i32>} : memref<10112x1xf32, #tpu.memory_space<vmem>>, vector<10112x1xf32>,
    return
  }
}

module attributes {stable_mosaic.version = 14 : i64} {
  func.func @_tc_mid_body(%arg0: memref<2x10112x128xf32, #tpu.memory_space<vmem>>, %arg1: memref<10112x128xf32, #tpu.memory_space<vmem>>, %arg2: memref<10112x1xf32, #tpu.memory_space<vmem>>, %arg3: memref<1x128xf32, #tpu.memory_space<vmem>>, %arg4: memref<128x128xf32, #tpu.memory_space<vmem>>, %arg5: memref<10112x128xf32, #tpu.memory_space<vmem>>) attributes {dimension_semantics = [], scalar_prefetch = 0 : i64, scratch_operands = 0 : i64, tpu.core_type = #tpu.core_type<tc>} {
    %get3A = arith.constant 0 : index
    %get3A_0 = arith.constant 0 : index
    %get3A_1 = vector.load %arg2[%get3A, %get3A_0] : memref<10112x1xf32, #tpu.memory_space<vmem>>, vector<10112x1xf32>
    %get3A_2 = arith.constant 0 : index
    %get3A_3 = arith.constant 0 : index
    %get3A_4 = arith.constant 0 : index
    %get3A_5 = vector.load %arg0[%get3A_2, %get3A_3, %get3A_4] : memref<2x10112x128xf32, #tpu.memory_space<vmem>>, vector<1x10112x128xf32>
    %get3A_6 = vector.shape_cast %get3A_5 : vector<1x10112x128xf32> to vector<10112x128xf32>
    %get3A_7 = arith.constant 1 : index
    %get3A_8 = arith.constant 0 : index
    %get3A_9 = arith.constant 0 : index
    %get3A_10 = vector.load %arg0[%get3A_7, %get3A_8, %get3A_9] : memref<2x10112x128xf32, #tpu.memory_space<vmem>>, vector<1x10112x128xf32>
    %get3A_11 = vector.shape_cast %get3A_10 : vector<1x10112x128xf32> to vector<10112x128xf32>
    %add3A = arith.addf %get3A_6, %get3A_11 : vector<10112x128xf32>
    %get3A_12 = arith.constant 0 : index
    %get3A_13 = arith.constant 0 : index
    %get3A_14 = vector.load %arg1[%get3A_12, %get3A_13] : memref<10112x128xf32, #tpu.memory_space<vmem>>, vector<10112x128xf32>
    %add3A_15 = arith.addf %add3A, %get3A_14 : vector<10112x128xf32>
    %mul3A = vector.broadcast %get3A_1 : vector<10112x1xf32> to vector<10112x128xf32>
    %mul3A_16 = arith.mulf %add3A_15, %mul3A : vector<10112x128xf32>
    %get3A_17 = arith.constant 0 : index
    %get3A_18 = arith.constant 0 : index
    %get3A_19 = vector.load %arg3[%get3A_17, %get3A_18] : memref<1x128xf32, #tpu.memory_space<vmem>>, vector<1x128xf32>
    %add3A_20 = vector.broadcast %get3A_19 : vector<1x128xf32> to vector<10112x128xf32>
    %add3A_21 = arith.addf %mul3A_16, %add3A_20 : vector<10112x128xf32>
    %max3A = arith.constant 0.000000e+00 : f32
    %max3A_22 = vector.broadcast %max3A : f32 to vector<10112x128xf32>
    %max3A_23 = arith.maximumf %add3A_21, %max3A_22 : vector<10112x128xf32>
    %get3A_24 = arith.constant 0 : index
    %get3A_25 = arith.constant 0 : index
    %get3A_26 = vector.load %arg4[%get3A_24, %get3A_25] : memref<128x128xf32, #tpu.memory_space<vmem>>, vector<128x128xf32>
    %dot_general3A = arith.constant dense<0.000000e+00> : vector<10112x128xf32>
    %dot_general3A_27 = tpu.matmul %max3A_23, %get3A_26, %dot_general3A {dimension_numbers = #tpu.dot_dimension_numbers<[1], [0], [0], [1], [0, 0, 1, 1], [], []>, transpose_lhs_hint = false} : vector<10112x128xf32>, vector<128x128xf32>, vector<10112x128xf32> -> vector<10112x128xf32>
    %mul3A_28 = vector.broadcast %get3A_1 : vector<10112x1xf32> to vector<10112x128xf32>
    %mul3A_29 = arith.mulf %dot_general3A_27, %mul3A_28 : vector<10112x128xf32>
    %swap3A = arith.constant 0 : index
    %swap3A_30 = arith.constant 0 : index
    %swap3A_31 = vector.load %arg5[%swap3A, %swap3A_30] : memref<10112x128xf32, #tpu.memory_space<vmem>>, vector<10112x128xf32>
    tpu.vector_store %arg5[%swap3A, %swap3A_30], %mul3A_29 {strides = array<i32>} : memref<10112x128xf32, #tpu.memory_space<vmem>>, vector<10112x128xf32>,
    return
  }
}

module attributes {stable_mosaic.version = 14 : i64} {
  func.func @_tc_mid_body(%arg0: memref<2x10112x128xf32, #tpu.memory_space<vmem>>, %arg1: memref<10112x128xf32, #tpu.memory_space<vmem>>, %arg2: memref<10112x1xf32, #tpu.memory_space<vmem>>, %arg3: memref<1x128xf32, #tpu.memory_space<vmem>>, %arg4: memref<128x1xf32, #tpu.memory_space<vmem>>, %arg5: memref<10112x1xf32, #tpu.memory_space<vmem>>) attributes {dimension_semantics = [], scalar_prefetch = 0 : i64, scratch_operands = 0 : i64, tpu.core_type = #tpu.core_type<tc>} {
    %get3A = arith.constant 0 : index
    %get3A_0 = arith.constant 0 : index
    %get3A_1 = vector.load %arg2[%get3A, %get3A_0] : memref<10112x1xf32, #tpu.memory_space<vmem>>, vector<10112x1xf32>
    %get3A_2 = arith.constant 0 : index
    %get3A_3 = arith.constant 0 : index
    %get3A_4 = arith.constant 0 : index
    %get3A_5 = vector.load %arg0[%get3A_2, %get3A_3, %get3A_4] : memref<2x10112x128xf32, #tpu.memory_space<vmem>>, vector<1x10112x128xf32>
    %get3A_6 = vector.shape_cast %get3A_5 : vector<1x10112x128xf32> to vector<10112x128xf32>
    %get3A_7 = arith.constant 1 : index
    %get3A_8 = arith.constant 0 : index
    %get3A_9 = arith.constant 0 : index
    %get3A_10 = vector.load %arg0[%get3A_7, %get3A_8, %get3A_9] : memref<2x10112x128xf32, #tpu.memory_space<vmem>>, vector<1x10112x128xf32>
    %get3A_11 = vector.shape_cast %get3A_10 : vector<1x10112x128xf32> to vector<10112x128xf32>
    %add3A = arith.addf %get3A_6, %get3A_11 : vector<10112x128xf32>
    %get3A_12 = arith.constant 0 : index
    %get3A_13 = arith.constant 0 : index
    %get3A_14 = vector.load %arg1[%get3A_12, %get3A_13] : memref<10112x128xf32, #tpu.memory_space<vmem>>, vector<10112x128xf32>
    %add3A_15 = arith.addf %add3A, %get3A_14 : vector<10112x128xf32>
    %mul3A = vector.broadcast %get3A_1 : vector<10112x1xf32> to vector<10112x128xf32>
    %mul3A_16 = arith.mulf %add3A_15, %mul3A : vector<10112x128xf32>
    %get3A_17 = arith.constant 0 : index
    %get3A_18 = arith.constant 0 : index
    %get3A_19 = vector.load %arg3[%get3A_17, %get3A_18] : memref<1x128xf32, #tpu.memory_space<vmem>>, vector<1x128xf32>
    %add3A_20 = vector.broadcast %get3A_19 : vector<1x128xf32> to vector<10112x128xf32>
    %add3A_21 = arith.addf %mul3A_16, %add3A_20 : vector<10112x128xf32>
    %max3A = arith.constant 0.000000e+00 : f32
    %max3A_22 = vector.broadcast %max3A : f32 to vector<10112x128xf32>
    %max3A_23 = arith.maximumf %add3A_21, %max3A_22 : vector<10112x128xf32>
    %get3A_24 = arith.constant 0 : index
    %get3A_25 = arith.constant 0 : index
    %get3A_26 = vector.load %arg4[%get3A_24, %get3A_25] : memref<128x1xf32, #tpu.memory_space<vmem>>, vector<128x1xf32>
    %dot_general3A = arith.constant dense<0.000000e+00> : vector<10112x1xf32>
    %dot_general3A_27 = tpu.matmul %max3A_23, %get3A_26, %dot_general3A {dimension_numbers = #tpu.dot_dimension_numbers<[1], [0], [0], [1], [0, 0, 1, 1], [], []>, transpose_lhs_hint = false} : vector<10112x128xf32>, vector<128x1xf32>, vector<10112x1xf32> -> vector<10112x1xf32>
    %mul3A_28 = arith.mulf %dot_general3A_27, %get3A_1 : vector<10112x1xf32>
    %swap3A = arith.constant 0 : index
    %swap3A_29 = arith.constant 0 : index
    %swap3A_30 = vector.load %arg5[%swap3A, %swap3A_29] : memref<10112x1xf32, #tpu.memory_space<vmem>>, vector<10112x1xf32>
    tpu.vector_store %arg5[%swap3A, %swap3A_29], %mul3A_28 {strides = array<i32>} : memref<10112x1xf32, #tpu.memory_space<vmem>>, vector<10112x1xf32>,
    return
  }
}

module attributes {stable_mosaic.version = 14 : i64} {
  func.func @_tc4_body(%arg0: memref<32x1x10112xf32, #tpu.memory_space<vmem>>, %arg1: memref<10112x1xf32, #tpu.memory_space<vmem>>, %arg2: memref<10112x1xf32, #tpu.memory_space<vmem>>, %arg3: memref<1x1xf32, #tpu.memory_space<vmem>>, %arg4: memref<10112x1xf32, #tpu.memory_space<vmem>>) attributes {dimension_semantics = [], scalar_prefetch = 0 : i64, scratch_operands = 0 : i64, tpu.core_type = #tpu.core_type<tc>} {
    %get3A = arith.constant 0 : index
    %get3A_0 = arith.constant 0 : index
    %get3A_1 = arith.constant 0 : index
    %get3A_2 = vector.load %arg0[%get3A, %get3A_0, %get3A_1] : memref<32x1x10112xf32, #tpu.memory_space<vmem>>, vector<32x1x10112xf32>
    %reduce_sum3A = arith.constant dense<0.000000e+00> : vector<10112xf32>
    %reduce_sum3A_3 = vector.multi_reduction <add>, %get3A_2, %reduce_sum3A [0, 1] : vector<32x1x10112xf32> to vector<10112xf32>
    %broadcast_in_dim3A = vector.shape_cast %reduce_sum3A_3 : vector<10112xf32> to vector<10112x1xf32>
    %get3A_4 = arith.constant 0 : index
    %get3A_5 = arith.constant 0 : index
    %get3A_6 = vector.load %arg1[%get3A_4, %get3A_5] : memref<10112x1xf32, #tpu.memory_space<vmem>>, vector<10112x1xf32>
    %add3A = arith.addf %broadcast_in_dim3A, %get3A_6 : vector<10112x1xf32>
    %get3A_7 = arith.constant 0 : index
    %get3A_8 = arith.constant 0 : index
    %get3A_9 = vector.load %arg2[%get3A_7, %get3A_8] : memref<10112x1xf32, #tpu.memory_space<vmem>>, vector<10112x1xf32>
    %mul3A = arith.mulf %add3A, %get3A_9 : vector<10112x1xf32>
    %get3A_10 = arith.constant 0 : index
    %get3A_11 = arith.constant 0 : index
    %get3A_12 = vector.load %arg3[%get3A_10, %get3A_11] : memref<1x1xf32, #tpu.memory_space<vmem>>, vector<1x1xf32>
    %add3A_13 = vector.broadcast %get3A_12 : vector<1x1xf32> to vector<10112x1xf32>
    %add3A_14 = arith.addf %mul3A, %add3A_13 : vector<10112x1xf32>
    %logistic3A = arith.negf %add3A_14 : vector<10112x1xf32>
    %logistic3A_15 = math.exp %logistic3A : vector<10112x1xf32>
    %logistic3A_16 = arith.constant 1.000000e+00 : f32
    %logistic3A_17 = vector.broadcast %logistic3A_16 : f32 to vector<10112x1xf32>
    %logistic3A_18 = arith.addf %logistic3A_17, %logistic3A_15 : vector<10112x1xf32>
    %logistic3A_19 = arith.divf %logistic3A_17, %logistic3A_18 : vector<10112x1xf32>
    %swap3A = arith.constant 0 : index
    %swap3A_20 = arith.constant 0 : index
    %swap3A_21 = vector.load %arg4[%swap3A, %swap3A_20] : memref<10112x1xf32, #tpu.memory_space<vmem>>, vector<10112x1xf32>
    tpu.vector_store %arg4[%swap3A, %swap3A_20], %logistic3A_19 {strides = array<i32>} : memref<10112x1xf32, #tpu.memory_space<vmem>>, vector<10112x1xf32>,
    return
  }
}

</mosaic_0001>

<sc_bundles>
// kernel: kernel.10.cloned.1.call-start
scs
__scs_entry_jumppad:
0x0: {  	(pc) =	sbr.rel $0x88, $3  }
0x1: {  	(tag) =	ssettag $0x0;
	lr =	simm.s32 $0x1  }
0x2: {  	[smem:$0x3F99] =	sst lr;
	_ =	strace $0xD0000000  }
0x3: {  	_ = 	snop  }
0x4: {  	_ = 	snop  }
0x5: {  	_ = 	snop  }
0x6: {  	_ = 	snop  }
0x7: {  	_ = 	snop  }
__scs_overlays_trampoline_lowered:
0x8: {  	[smem:$0x3FA8] =	sst s0  }
0x9: {  	[smem:$0x3FA9] =	sst s1  }
0xa: {  	[smem:$0x3FAA] =	sst s2  }
0xb: {  	[smem:$0x3FAB] =	sst s3  }
0xc: {  	[smem:$0x3FAC] =	sst s4  }
0xd: {  	[smem:$0x3FAD] =	sst s5  }
0xe: {  	[smem:$0x3FAE] =	sst s6  }
0xf: {  	[smem:$0x3FAF] =	sst s7  }
0x10: {  	[smem:$0x3FB0] =	sst s8  }
0x11: {  	[smem:$0x3FB1] =	sst s9;
	s0 =	simm.s32 @!p0 $0x0  }
0x12: {  	s1 =	sld [smem:$0x3F97];
	s0 =	simm.s32 @p0 $0x1  }
0x13: {  	[smem:$0x3FB2] =	sst s0;
	s0 =	simm.s32 @!p1 $0x0  }
0x14: {  	s2 =	sld [smem:$0x3F96];
	s0 =	simm.s32 @p1 $0x1  }
0x15: {  	[smem:$0x3FB3] =	sst s0;
	s0 =	simm.s32 @!p2 $0x0  }
0x16: {  	s3 =	sld [smem:$0x3FDB];
	s0 =	simm.s32 @p2 $0x1  }
0x17: {  	s4 =	simm.s32 $0x1BF5;
	[smem:$0x3FB5] =	sst s0  }
0x18: {  	s0 =	sld [smem:$0x3F98];
	_ =	swait.ge [sflag:s4], $0x0  }
0x19: {  	s7 =	sld [smem:$0x3F99]  }
0x1a: {  	s8 =	sadd.s32 $0xFFFFE003, lr  }
0x1b: {  	s9 =	sadd.s32 $0xFFFFFEF7, lr;
	s5 =	simm.s32 $0xFFFFFFFF;
	p2 =	slt.u32 s8, $0xFFFFF086  }
0x1c: {  	p1 =	slt.u32 s9, $0xF7A;
	s5 =	simm.s32 @!p2 $0x0  }
0x1d: {  	s5 =	simm.s32 @p1 $0x1;
	p0 =	seq.s32 s7, s2  }
0x1e: {  	s7 =	smul.u32 @!p0 $0xF7A, s2;
	p2 =	seq.s32 @!p0 s5, $0x0  }
0x1f: {  	s9 =	smul.u32 $0xF7A, s1;
	s8 =	simm.s32 @!p0 $0x1BF5;
	p2 =	por !p2, p0  }
0x20: {  	[sflag:s8] =	ssyncset.s32 @!p0 $0xFFFFF086;
	s6 =	sadd.s32 @!p0 s3, s7;
	s7 =	simm.s32 @!p0 $0x108  }
0x21: {  	s3 =	sadd.s32 s3, s9;
	s6 =	sadd.s32 @!p0 $0x88, s6;
	s7 =	simm.s32 @p2 $0x1082  }
0x22: {  	[simem:s7], [sflag:s8] =	dma.local @!p0 [hbm:s6], $0xF7A  }
0x23: {  	s9 =	sor.u32 $0xD0000000, s2;
	s6 =	simm.s32 $0x108;
	_ =	swait.ge @!p0 [sflag:s8], $0x0  }
0x24: {  	s3 =	sadd.s32 $0x88, s3;
	s6 =	simm.s32 @!p1 $0x1082;
	[sflag:s4] =	ssyncset.s32 $0xFFFFF086  }
0x25: {  	[simem:s6], [sflag:s4] =	dma.local [hbm:s3], $0xF7A  }
0x26: {  	[smem:$0x3F99] =	sst s1;
	(tag) =	ssettag s2;
	_ =	strace s9  }
0x27: {  	s1 =	sld [smem:$0x3FA9]  }
0x28: {  	s2 =	sld [smem:$0x3FAA]  }
0x29: {  	s4 =	sld [smem:$0x3FAC]  }
0x2a: {  	p0 =	seq.s32 s5, $0x0;
	s5 =	sld [smem:$0x3FAD]  }
0x2b: {  	s6 =	sld [smem:$0x3FAE]  }
0x2c: {  	s7 =	sld [smem:$0x3FAF]  }
0x2d: {  	s3 =	simm.s32 $0x108;
	s8 =	sld [smem:$0x3FB0]  }
0x2e: {  	s3 =	simm.s32 @!p0 $0x1082;
	s9 =	sld [smem:$0x3FB1]  }
0x2f: {  	lr =	sadd.s32 s0, s3;
	s0 =	sld [smem:$0x3FA8]  }
0x30: {  	s3 =	sld [smem:$0x3FAB]  }
0x31: {  	[smem:$0x3FB4] =	sst s10  }
0x32: {  	s10 =	sld [smem:$0x3FB2];
	_ =	sdelay $0x3  }
0x33: {  	p0 =	seq.s32 s10, $0x1;
	s10 =	sld [smem:$0x3FB4];
	_ =	sdelay $0x3  }
0x34: {  	[smem:$0x3FB4] =	sst s10  }
0x35: {  	s10 =	sld [smem:$0x3FB3];
	_ =	sdelay $0x3  }
0x36: {  	p1 =	seq.s32 s10, $0x1;
	s10 =	sld [smem:$0x3FB4];
	_ =	sdelay $0x3  }
0x37: {  	[smem:$0x3FB4] =	sst s10  }
0x38: {  	s10 =	sld [smem:$0x3FB5]  }
0x39: {  	_ = 	snop;
	(pc) =	sbr.ind lr, $3  }
0x3a: {  	_ = 	snop  }
0x3b: {  	_ = 	snop  }
0x3c: {  	p2 =	seq.s32 s10, $0x1;
	s10 =	sld [smem:$0x3FB4]  }
0x3d: {  	_ =	shalt  }
0x3e: {  	_ =	shalt  }
0x3f: {  	_ =	shalt  }
0x40: {  	_ =	shalt  }
0x41: {  	_ =	shalt  }
0x42: {  	_ =	shalt  }
0x43: {  	_ =	shalt  }
0x44: {  	_ =	shalt  }
0x45: {  	_ =	shalt  }
0x46: {  	_ =	shalt  }
0x47: {  	_ =	shalt  }
0x48: {  	_ =	shalt  }
0x49: {  	_ =	shalt  }
0x4a: {  	_ =	shalt  }
0x4b: {  	_ =	shalt  }
0x4c: {  	_ =	shalt  }
0x4d: {  	_ =	shalt  }
0x4e: {  	_ =	shalt  }
0x4f: {  	_ =	shalt  }
0x50: {  	_ =	shalt  }
0x51: {  	_ =	shalt  }
0x52: {  	_ =	shalt  }
0x53: {  	_ =	shalt  }
0x54: {  	_ =	shalt  }
0x55: {  	_ =	shalt  }
0x56: {  	_ =	shalt  }
0x57: {  	_ =	shalt  }
0x58: {  	_ =	shalt  }
0x59: {  	_ =	shalt  }
0x5a: {  	_ =	shalt  }
0x5b: {  	_ =	shalt  }
0x5c: {  	_ =	shalt  }
0x5d: {  	_ =	shalt  }
0x5e: {  	_ =	shalt  }
0x5f: {  	_ =	shalt  }
0x60: {  	_ =	shalt  }
0x61: {  	_ =	shalt  }
0x62: {  	_ =	shalt  }
0x63: {  	_ =	shalt  }
0x64: {  	_ =	shalt  }
0x65: {  	_ =	shalt  }
0x66: {  	_ =	shalt  }
0x67: {  	_ =	shalt  }
0x68: {  	_ =	shalt  }
0x69: {  	_ =	shalt  }
0x6a: {  	_ =	shalt  }
0x6b: {  	_ =	shalt  }
0x6c: {  	_ =	shalt  }
0x6d: {  	_ =	shalt  }
0x6e: {  	_ =	shalt  }
0x6f: {  	_ =	shalt  }
0x70: {  	_ =	shalt  }
0x71: {  	_ =	shalt  }
0x72: {  	_ =	shalt  }
0x73: {  	_ =	shalt  }
0x74: {  	_ =	shalt  }
0x75: {  	_ =	shalt  }
0x76: {  	_ =	shalt  }
0x77: {  	_ =	shalt  }
0x78: {  	_ =	shalt  }
0x79: {  	_ =	shalt  }
0x7a: {  	_ =	shalt  }
0x7b: {  	_ =	shalt  }
0x7c: {  	_ =	shalt  }
0x7d: {  	_ =	shalt  }
0x7e: {  	_ =	shalt  }
0x7f: {  	_ =	shalt  }
0x80: {  	_ =	shalt  }
0x81: {  	_ =	shalt  }
0x82: {  	_ =	shalt  }
0x83: {  	_ =	shalt  }
0x84: {  	_ =	shalt  }
0x85: {  	_ =	shalt  }
0x86: {  	_ =	shalt  }
0x87: {  	_ =	shalt  }
.Lfunc_end0:
.L_simem_size_0:
called_computation_lowered:
.L_overlay_start_0:
0x88: {  	s2 =	sld [smem:$0x3FD9]  }
0x89: {  	s3 =	sld [smem:$0x3FFE];
	_ =	sdelay $0x1  }
0x8a: {  	s1 =	srdreg.scid  }
0x8b: {  	s0 =	sand.u32 $0x1, s1  }
0x8c: {  	s16 =	sshll.u32 s0, $0xA;
	s2 =	sadd.s32 s3, s2  }
0x8d: {  	s2 =	sadd.s32 s2, s16  }
0x8e: {  	[smem:$0x3FC0] =	sst s2  }
0x8f: {  	_ = 	snop  }
0x90: {  	(tm) =	ssettm $0x1  }
0x91: {  	s17 =	sld [smem:$0x3FFB];
	_ =	sdelay $0x3  }
0x92: {  	_ =	strace s17  }
0x93: {  	s2 =	sld [smem:$0x3FFC];
	_ =	sdelay $0x3  }
0x94: {  	_ =	strace s2  }
0x95: {  	s2 =	sld [smem:$0x3FFD];
	_ =	sdelay $0x3  }
0x96: {  	_ =	strace s2  }
0x97: {  	_ =	strace $0x8FFFFFFF  }
0x98: {  	s18 =	sld [smem:$0x3FDB];
	_ =	sdelay $0x1  }
0x99: {  	s19 =	simm.s32 $_scs_section_size  }
0x9a: {  	s4 =	simm.s32 $_size__tile_overlayer_lowered;
	s5 =	simm.s32 $_tile_overlayer_lowered  }
0x9b: {  	s22 =	simm.s32 $0x1BFF;
	s21 =	sshll.u32 s5, $0x1;
	s2 =	sadd.s32 s19, s18  }
0x9c: {  	s6 =	simm.s32 $0x0;
	s20 =	sshll.u32 s4, $0x1;
	s4 =	sadd.s32 s21, s2  }
0x9d: {  	[timem:s6], [sflag:s22] =	dma.local [hbm:s4], s20  }
0x9e: {  	_ =	swait.ge [sflag:s22], s20  }
0x9f: {  	s3 =	ssub.s32 $0x0, s20;
	[sflag:s22] =	ssyncset.done $0x0  }
0xa0: {  	[sflag:s22] =	ssyncadd.s32 s3;
	_ =	sdelay $0x1  }
0xa1: {  	s23 =	simm.s32 $0x1B8B  }
0xa2: {  	_ =	swait.ge [sflag:s23], $0x1  }
0xa3: {  	[sflag:s23] =	ssyncset.done $0x0  }
0xa4: {  	s25 =	simm.s32 $0x1B8E;
	s24 =	sld [smem:$0x3FFE];
	[sflag:s23] =	ssyncadd.s32 $0xFFFFFFFF  }
0xa5: {  	s26 =	simm.s32 $execute0_lowered;
	[smem:$0x3FD2] =	sst s25  }
0xa6: {  	s4 =	sshll.u32 s26, $0x1;
	_ =	strace $0x80000046;
	[dreg:$0x1] =	wrdreg $0xFFFFFFFF  }
0xa7: {  	s28 =	simm.s32 $_size_execute0_lowered;
	s2 =	sadd.s32 s2, s4;
	[dreg:$0x0] =	wrdreg $0x0  }
0xa8: {  	s4 =	sshll.u32 s28, $0x1;
	[dreg:$0x2] =	wrdreg s2  }
0xa9: {  	[dreg:$0x3] =	wrdreg s4  }
0xaa: {  	[dreg:$0x4] =	wrdreg $0xC0  }
0xab: {  	_ =	task [dreg:s6], $0x5FFFF  }
0xac: {  	[dreg:$0x1] =	wrdreg $0xFFFFFFFF  }
0xad: {  	[dreg:$0x0] =	wrdreg $0x60  }
0xae: {  	[dreg:$0x2] =	wrdreg s24  }
0xaf: {  	[dreg:$0x3] =	wrdreg $0x9  }
0xb0: {  	_ =	task.clear_ibuf [dreg:s6], $0x4FFFF;
	_ =	strace $0x90000046  }
0xb1: {  	s29 =	simm.s32 $0x9;
	_ =	strace $0x80000048  }
0xb2: {  	_ =	swait.ge [sflag:s29], $0x1  }
0xb3: {  	[sflag:s29] =	ssyncadd.s32 $0xFFFFFFFF  }
0xb4: {  	_ =	strace $0x90000048  }
0xb5: {  	_ =	sfence  }
0xb6: {  	s30 =	sld [smem:$0x0];
	_ =	sdelay $0x2  }
0xb7: {  	s31 =	sshll.u32 s1, $0xD;
	s1 =	sshrl.u32 s1, $0x2  }
0xb8: {  	s3 =	sand.u32 $0x4000, s31;
	s1 =	sadd.s32 s1, s30  }
0xb9: {  	s0 =	sor.u32 s3, s0;
	s1 =	sshll.u32 s1, $0x11  }
0xba: {  	s0 =	sor.u32 s1, s0  }
0xbb: {  	s0 =	sadd.s32 $0x8F2B, s0  }
0xbc: {  	[sflag:s0] =	ssyncadd.remote.s32 $0x1  }
0xbd: {  	_ =	sfence.sel $0xFFFF  }
0xbe: {  	[dreg:$0x0] =	wrdreg $0xFFFFFFFF;
	(pc) =	sbr.abs _section_cstart, $3  }
0xbf: {  	[dreg:$0x1] =	wrdreg $0xFFFFFFFF  }
0xc0: {  	_ =	task.clear_ibuf [dreg:s6], $0x2FFFF;
	_ =	strace $0x9FFFFFFF  }
0xc1: {  	(tm) =	ssettm $0x7FFFFFFF  }
tec
execute0_lowered:
.L_overlay_start_1:
0x0: {  	(tag) =	ssettag $0x1  }
0x1: {  	s0 =	srdreg.scid  }
0x2: {  	s3 =	sand.u32 $0x1, s0  }
0x3: {  	s4 =	rddreg [dreg:$0x0];
	s0 =	stileid.u32;
	s1 =	sshll.u32 s3, $0x4  }
0x4: {  	s2 =	simm.s32 $0x0;
	s8 =	simm.s32 $0x0;
	s5 =	sor.u32 s0, s1  }
0x5: {  	[smem:$0x7FF] =	sst s2;
	s3 =	ssub.s32 $0x2, s3;
	s6 =	smul.u32 $0x500, s5  }
0x6: {  	s1 =	rddreg [dreg:$0x1];
	s7 =	sshrl.u32 s3, $0x1;
	s5 =	smul.u32 $0x4F0, s5  }
0x7: {  	_ =	strace $0x80000047;
	s31 =	ssub.s32 s3, s7;
	s7 =	simm.s32 $0x2800  }
0x8: {  	s6 =	sadd.s32 s6, s4;
	s4 =	sadd.s32 s5, s4;
	s5 =	smax.u32 s31, $0x1  }
0x9: {  	v0 =	vimm.f32 $0.0e+00;
	v1 =	vimm.f32 $1.000000000e+00;
	s3 =	sadd.s32 $0x2800, s6;
	s4 =	sadd.s32 $0xC800, s4;
	s6 =	simm.s32 $0x1  }
.LBB2_1:
0xa: {  	[tilespmem:s2], [sflag:$0x1] =	stream.linear.gather [hbm4b:s3+s2], $0x2780, $0x38;
	[tilespmem:$0x4F80] =	vst v63  }
0xb: {  	_ =	swait.ge [sflag:s6], $0x2780  }
0xc: {  	[sflag:s6] =	ssyncset.done $0x0  }
0xd: {  	s9 =	simm.s32 $0x0;
	[sflag:s6] =	ssyncadd.s32 $0xFFFFD880  }
.LBB2_2:
0xe: {  	p0 =	sne.s32 s9, $0x9DC0  }
.Ltmp0:
0xf: {  	_ = 	snop;
	(pc) =	sbr.rel @p0 .LBB2_2-.Ltmp0, $3  }
0x10: {  	_ =	sdelay $0x1  }
0x11: {  	s10 =	sshra.s32 s9, $0x2  }
0x12: {  	s9 =	sadd.s32 $0x40, s9;
	[tilespmem:s10+$0x2800] =	vst v0  }
0x13: {  	s9 =	simm.s32 $0x0  }
.LBB2_4:
0x14: {  	s10 =	sshra.s32 s9, $0x2  }
0x15: {  	v2 =	vld [tilespmem:s10+$0x0];
	_ =	sdelay $0x7  }
0x16: {  	[tilespmem:v2+s7+$0x0] =	vst.idx.add.f32.msk $0xffff, v1  }
0x17: {  	v2 =	vld [tilespmem:s10+$0x10];
	_ =	sdelay $0x7  }
0x18: {  	[tilespmem:v2+s7+$0x0] =	vst.idx.add.f32.msk $0xffff, v1  }
0x19: {  	v2 =	vld [tilespmem:s10+$0x20];
	_ =	sdelay $0x7  }
0x1a: {  	[tilespmem:v2+s7+$0x0] =	vst.idx.add.f32.msk $0xffff, v1  }
0x1b: {  	v2 =	vld [tilespmem:s10+$0x30];
	_ =	sdelay $0x7  }
0x1c: {  	[tilespmem:v2+s7+$0x0] =	vst.idx.add.f32.msk $0xffff, v1  }
0x1d: {  	v2 =	vld [tilespmem:s10+$0x40];
	_ =	sdelay $0x7  }
0x1e: {  	[tilespmem:v2+s7+$0x0] =	vst.idx.add.f32.msk $0xffff, v1  }
0x1f: {  	v2 =	vld [tilespmem:s10+$0x50];
	_ =	sdelay $0x7  }
0x20: {  	[tilespmem:v2+s7+$0x0] =	vst.idx.add.f32.msk $0xffff, v1  }
0x21: {  	v2 =	vld [tilespmem:s10+$0x60];
	_ =	sdelay $0x7  }
0x22: {  	[tilespmem:v2+s7+$0x0] =	vst.idx.add.f32.msk $0xffff, v1  }
0x23: {  	v2 =	vld [tilespmem:s10+$0x70];
	_ =	sdelay $0x2  }
0x24: {  	p0 =	sne.s32 s9, $0x9C00  }
.Ltmp1:
0x25: {  	_ = 	snop;
	(pc) =	sbr.rel @p0 .LBB2_4-.Ltmp1, $2  }
0x26: {  	_ =	sdelay $0x2  }
0x27: {  	s9 =	sadd.s32 $0x200, s9;
	[tilespmem:v2+s7+$0x0] =	vst.idx.add.f32.msk $0xffff, v1  }
0x28: {  	s8 =	sadd.s32 $0x1, s8  }
0x29: {  	p0 =	sne.s32 s8, s5  }
.Ltmp2:
0x2a: {  	_ = 	snop;
	(pc) =	sbr.rel @p0 .LBB2_1-.Ltmp2, $4  }
0x2b: {  	[hbm4b:s4+s2] =	stream.linear.scatter [tilespmem:s7], [sflag:$0x1], $0x2780, $0x38;
	[tilespmem:$0x4F80] =	vst v63  }
0x2c: {  	_ =	swait.ge [sflag:s6], $0x2780  }
0x2d: {  	[sflag:s6] =	ssyncset.done $0x0  }
0x2e: {  	[sflag:s6] =	ssyncadd.s32 $0xFFFFD880  }
0x2f: {  	_ =	sfence.sel $0x180000  }
0x30: {  	[bflag:$0x0] =	sbarrier.arrive $0xFFFF  }
0x31: {  	p0 =	sne.s32 s0, $0x0;
	_ =	strace $0x90000047  }
0x32: {  	s0 =	sadd.s32 @!p0 $0x100000, s1;
	[bflag:$0x2] =	sbarrier.arrive $0xFFFF  }
0x33: {  	[sflag:s0] =	ssyncadd.tile.s32 @!p0 $0x1;
	_ =	shalt  }
.Lfunc_end2:
_tile_overlayer_lowered:
.L_overlay_start_2:
0x34: {  	(tag) =	ssettag $0x2  }
0x35: {  	s0 =	rddreg [dreg:$0x0];
	s2 =	stileid.u32  }
0x36: {  	s1 =	rddreg [dreg:$0x1];
	p0 =	sne.s32 s2, $0x0  }
0x37: {  	s3 =	rddreg [dreg:$0x2];
	[bflag:$0x3] =	sbarrier.arrive $0xFFFF;
	s2 =	simm.s32 @!p0 $0x1C01  }
0x38: {  	[timem:s3], [sflag:s2] =	dma.local @!p0 [hbm:s0], s1  }
0x39: {  	s0 =	simm.s32 @!p0 $0x1  }
0x3a: {  	_ =	swait.ge @!p0 [sflag:s0], s1  }
0x3b: {  	s1 =	ssub.s32 @!p0 $0x0, s1;
	[sflag:s0] =	ssyncset.done @!p0 $0x0  }
0x3c: {  	[sflag:s0] =	ssyncadd.s32 @!p0 s1  }
0x3d: {  	[bflag:$0x3] =	sbarrier.arrive $0xFFFF  }
0x3e: {  	_ =	shalt  }

// kernel: kernel.13.cloned.1.call-start
scs
__scs_entry_jumppad:
0x0: {  	(pc) =	sbr.rel $0x88, $3  }
0x1: {  	(tag) =	ssettag $0x0;
	lr =	simm.s32 $0x1  }
0x2: {  	[smem:$0x3F99] =	sst lr;
	_ =	strace $0xD0000000  }
0x3: {  	_ = 	snop  }
0x4: {  	_ = 	snop  }
0x5: {  	_ = 	snop  }
0x6: {  	_ = 	snop  }
0x7: {  	_ = 	snop  }
__scs_overlays_trampoline_lowered:
0x8: {  	[smem:$0x3FA8] =	sst s0  }
0x9: {  	[smem:$0x3FA9] =	sst s1  }
0xa: {  	[smem:$0x3FAA] =	sst s2  }
0xb: {  	[smem:$0x3FAB] =	sst s3  }
0xc: {  	[smem:$0x3FAC] =	sst s4  }
0xd: {  	[smem:$0x3FAD] =	sst s5  }
0xe: {  	[smem:$0x3FAE] =	sst s6  }
0xf: {  	[smem:$0x3FAF] =	sst s7  }
0x10: {  	[smem:$0x3FB0] =	sst s8  }
0x11: {  	[smem:$0x3FB1] =	sst s9;
	s0 =	simm.s32 @!p0 $0x0  }
0x12: {  	s1 =	sld [smem:$0x3F97];
	s0 =	simm.s32 @p0 $0x1  }
0x13: {  	[smem:$0x3FB2] =	sst s0;
	s0 =	simm.s32 @!p1 $0x0  }
0x14: {  	s2 =	sld [smem:$0x3F96];
	s0 =	simm.s32 @p1 $0x1  }
0x15: {  	[smem:$0x3FB3] =	sst s0;
	s0 =	simm.s32 @!p2 $0x0  }
0x16: {  	s3 =	sld [smem:$0x3FDB];
	s0 =	simm.s32 @p2 $0x1  }
0x17: {  	s4 =	simm.s32 $0x1BF5;
	[smem:$0x3FB5] =	sst s0  }
0x18: {  	s0 =	sld [smem:$0x3F98];
	_ =	swait.ge [sflag:s4], $0x0  }
0x19: {  	s7 =	sld [smem:$0x3F99]  }
0x1a: {  	s8 =	sadd.s32 $0xFFFFE003, lr  }
0x1b: {  	s9 =	sadd.s32 $0xFFFFFEF7, lr;
	s5 =	simm.s32 $0xFFFFFFFF;
	p2 =	slt.u32 s8, $0xFFFFF086  }
0x1c: {  	p1 =	slt.u32 s9, $0xF7A;
	s5 =	simm.s32 @!p2 $0x0  }
0x1d: {  	s5 =	simm.s32 @p1 $0x1;
	p0 =	seq.s32 s7, s2  }
0x1e: {  	s7 =	smul.u32 @!p0 $0xF7A, s2;
	p2 =	seq.s32 @!p0 s5, $0x0  }
0x1f: {  	s9 =	smul.u32 $0xF7A, s1;
	s8 =	simm.s32 @!p0 $0x1BF5;
	p2 =	por !p2, p0  }
0x20: {  	[sflag:s8] =	ssyncset.s32 @!p0 $0xFFFFF086;
	s6 =	sadd.s32 @!p0 s3, s7;
	s7 =	simm.s32 @!p0 $0x108  }
0x21: {  	s3 =	sadd.s32 s3, s9;
	s6 =	sadd.s32 @!p0 $0x88, s6;
	s7 =	simm.s32 @p2 $0x1082  }
0x22: {  	[simem:s7], [sflag:s8] =	dma.local @!p0 [hbm:s6], $0xF7A  }
0x23: {  	s9 =	sor.u32 $0xD0000000, s2;
	s6 =	simm.s32 $0x108;
	_ =	swait.ge @!p0 [sflag:s8], $0x0  }
0x24: {  	s3 =	sadd.s32 $0x88, s3;
	s6 =	simm.s32 @!p1 $0x1082;
	[sflag:s4] =	ssyncset.s32 $0xFFFFF086  }
0x25: {  	[simem:s6], [sflag:s4] =	dma.local [hbm:s3], $0xF7A  }
0x26: {  	[smem:$0x3F99] =	sst s1;
	(tag) =	ssettag s2;
	_ =	strace s9  }
0x27: {  	s1 =	sld [smem:$0x3FA9]  }
0x28: {  	s2 =	sld [smem:$0x3FAA]  }
0x29: {  	s4 =	sld [smem:$0x3FAC]  }
0x2a: {  	p0 =	seq.s32 s5, $0x0;
	s5 =	sld [smem:$0x3FAD]  }
0x2b: {  	s6 =	sld [smem:$0x3FAE]  }
0x2c: {  	s7 =	sld [smem:$0x3FAF]  }
0x2d: {  	s3 =	simm.s32 $0x108;
	s8 =	sld [smem:$0x3FB0]  }
0x2e: {  	s3 =	simm.s32 @!p0 $0x1082;
	s9 =	sld [smem:$0x3FB1]  }
0x2f: {  	lr =	sadd.s32 s0, s3;
	s0 =	sld [smem:$0x3FA8]  }
0x30: {  	s3 =	sld [smem:$0x3FAB]  }
0x31: {  	[smem:$0x3FB4] =	sst s10  }
0x32: {  	s10 =	sld [smem:$0x3FB2];
	_ =	sdelay $0x3  }
0x33: {  	p0 =	seq.s32 s10, $0x1;
	s10 =	sld [smem:$0x3FB4];
	_ =	sdelay $0x3  }
0x34: {  	[smem:$0x3FB4] =	sst s10  }
0x35: {  	s10 =	sld [smem:$0x3FB3];
	_ =	sdelay $0x3  }
0x36: {  	p1 =	seq.s32 s10, $0x1;
	s10 =	sld [smem:$0x3FB4];
	_ =	sdelay $0x3  }
0x37: {  	[smem:$0x3FB4] =	sst s10  }
0x38: {  	s10 =	sld [smem:$0x3FB5]  }
0x39: {  	_ = 	snop;
	(pc) =	sbr.ind lr, $3  }
0x3a: {  	_ = 	snop  }
0x3b: {  	_ = 	snop  }
0x3c: {  	p2 =	seq.s32 s10, $0x1;
	s10 =	sld [smem:$0x3FB4]  }
0x3d: {  	_ =	shalt  }
0x3e: {  	_ =	shalt  }
0x3f: {  	_ =	shalt  }
0x40: {  	_ =	shalt  }
0x41: {  	_ =	shalt  }
0x42: {  	_ =	shalt  }
0x43: {  	_ =	shalt  }
0x44: {  	_ =	shalt  }
0x45: {  	_ =	shalt  }
0x46: {  	_ =	shalt  }
0x47: {  	_ =	shalt  }
0x48: {  	_ =	shalt  }
0x49: {  	_ =	shalt  }
0x4a: {  	_ =	shalt  }
0x4b: {  	_ =	shalt  }
0x4c: {  	_ =	shalt  }
0x4d: {  	_ =	shalt  }
0x4e: {  	_ =	shalt  }
0x4f: {  	_ =	shalt  }
0x50: {  	_ =	shalt  }
0x51: {  	_ =	shalt  }
0x52: {  	_ =	shalt  }
0x53: {  	_ =	shalt  }
0x54: {  	_ =	shalt  }
0x55: {  	_ =	shalt  }
0x56: {  	_ =	shalt  }
0x57: {  	_ =	shalt  }
0x58: {  	_ =	shalt  }
0x59: {  	_ =	shalt  }
0x5a: {  	_ =	shalt  }
0x5b: {  	_ =	shalt  }
0x5c: {  	_ =	shalt  }
0x5d: {  	_ =	shalt  }
0x5e: {  	_ =	shalt  }
0x5f: {  	_ =	shalt  }
0x60: {  	_ =	shalt  }
0x61: {  	_ =	shalt  }
0x62: {  	_ =	shalt  }
0x63: {  	_ =	shalt  }
0x64: {  	_ =	shalt  }
0x65: {  	_ =	shalt  }
0x66: {  	_ =	shalt  }
0x67: {  	_ =	shalt  }
0x68: {  	_ =	shalt  }
0x69: {  	_ =	shalt  }
0x6a: {  	_ =	shalt  }
0x6b: {  	_ =	shalt  }
0x6c: {  	_ =	shalt  }
0x6d: {  	_ =	shalt  }
0x6e: {  	_ =	shalt  }
0x6f: {  	_ =	shalt  }
0x70: {  	_ =	shalt  }
0x71: {  	_ =	shalt  }
0x72: {  	_ =	shalt  }
0x73: {  	_ =	shalt  }
0x74: {  	_ =	shalt  }
0x75: {  	_ =	shalt  }
0x76: {  	_ =	shalt  }
0x77: {  	_ =	shalt  }
0x78: {  	_ =	shalt  }
0x79: {  	_ =	shalt  }
0x7a: {  	_ =	shalt  }
0x7b: {  	_ =	shalt  }
0x7c: {  	_ =	shalt  }
0x7d: {  	_ =	shalt  }
0x7e: {  	_ =	shalt  }
0x7f: {  	_ =	shalt  }
0x80: {  	_ =	shalt  }
0x81: {  	_ =	shalt  }
0x82: {  	_ =	shalt  }
0x83: {  	_ =	shalt  }
0x84: {  	_ =	shalt  }
0x85: {  	_ =	shalt  }
0x86: {  	_ =	shalt  }
0x87: {  	_ =	shalt  }
.Lfunc_end0:
.L_simem_size_0:
called_computation.1_lowered:
.L_overlay_start_0:
0x88: {  	s2 =	sld [smem:$0x3FD9]  }
0x89: {  	s3 =	sld [smem:$0x3FFE];
	_ =	sdelay $0x1  }
0x8a: {  	s1 =	srdreg.scid  }
0x8b: {  	s0 =	sand.u32 $0x1, s1  }
0x8c: {  	s16 =	sshll.u32 s0, $0xA;
	s2 =	sadd.s32 s3, s2  }
0x8d: {  	s2 =	sadd.s32 s2, s16  }
0x8e: {  	[smem:$0x3FC0] =	sst s2  }
0x8f: {  	_ = 	snop  }
0x90: {  	(tm) =	ssettm $0x1  }
0x91: {  	s17 =	sld [smem:$0x3FFB];
	_ =	sdelay $0x3  }
0x92: {  	_ =	strace s17  }
0x93: {  	s2 =	sld [smem:$0x3FFC];
	_ =	sdelay $0x3  }
0x94: {  	_ =	strace s2  }
0x95: {  	s2 =	sld [smem:$0x3FFD];
	_ =	sdelay $0x3  }
0x96: {  	_ =	strace s2  }
0x97: {  	_ =	strace $0x8FFFFFFF  }
0x98: {  	s18 =	sld [smem:$0x3FDB];
	_ =	sdelay $0x1  }
0x99: {  	s19 =	simm.s32 $_scs_section_size  }
0x9a: {  	s4 =	simm.s32 $_size__tile_overlayer_lowered;
	s5 =	simm.s32 $_tile_overlayer_lowered  }
0x9b: {  	s22 =	simm.s32 $0x1BFF;
	s21 =	sshll.u32 s5, $0x1;
	s2 =	sadd.s32 s19, s18  }
0x9c: {  	s6 =	simm.s32 $0x0;
	s20 =	sshll.u32 s4, $0x1;
	s4 =	sadd.s32 s21, s2  }
0x9d: {  	[timem:s6], [sflag:s22] =	dma.local [hbm:s4], s20  }
0x9e: {  	_ =	swait.ge [sflag:s22], s20  }
0x9f: {  	s3 =	ssub.s32 $0x0, s20;
	[sflag:s22] =	ssyncset.done $0x0  }
0xa0: {  	[sflag:s22] =	ssyncadd.s32 s3;
	_ =	sdelay $0x1  }
0xa1: {  	s23 =	simm.s32 $0x1B8B  }
0xa2: {  	_ =	swait.ge [sflag:s23], $0x1  }
0xa3: {  	[sflag:s23] =	ssyncset.done $0x0  }
0xa4: {  	s25 =	simm.s32 $0x1B8E;
	s24 =	sld [smem:$0x3FFE];
	[sflag:s23] =	ssyncadd.s32 $0xFFFFFFFF  }
0xa5: {  	s26 =	simm.s32 $execute0_lowered;
	[smem:$0x3FD2] =	sst s25  }
0xa6: {  	s4 =	sshll.u32 s26, $0x1;
	_ =	strace $0x80000049;
	[dreg:$0x1] =	wrdreg $0xFFFFFFFF  }
0xa7: {  	s28 =	simm.s32 $_size_execute0_lowered;
	s2 =	sadd.s32 s2, s4;
	[dreg:$0x0] =	wrdreg $0x0  }
0xa8: {  	s4 =	sshll.u32 s28, $0x1;
	[dreg:$0x2] =	wrdreg s2  }
0xa9: {  	[dreg:$0x3] =	wrdreg s4  }
0xaa: {  	[dreg:$0x4] =	wrdreg $0xC0  }
0xab: {  	_ =	task [dreg:s6], $0x5FFFF  }
0xac: {  	[dreg:$0x1] =	wrdreg $0xFFFFFFFF  }
0xad: {  	[dreg:$0x0] =	wrdreg $0x60  }
0xae: {  	[dreg:$0x2] =	wrdreg s24  }
0xaf: {  	[dreg:$0x3] =	wrdreg $0x90000  }
0xb0: {  	[dreg:$0x4] =	wrdreg $0x9  }
0xb1: {  	_ =	task.clear_ibuf [dreg:s6], $0x5FFFF;
	_ =	strace $0x90000049  }
0xb2: {  	s29 =	simm.s32 $0x9;
	_ =	strace $0x8000004B  }
0xb3: {  	_ =	swait.ge [sflag:s29], $0x1  }
0xb4: {  	[sflag:s29] =	ssyncadd.s32 $0xFFFFFFFF  }
0xb5: {  	_ =	strace $0x9000004B  }
0xb6: {  	_ =	sfence  }
0xb7: {  	s30 =	sld [smem:$0x0];
	_ =	sdelay $0x2  }
0xb8: {  	s31 =	sshll.u32 s1, $0xD;
	s1 =	sshrl.u32 s1, $0x2  }
0xb9: {  	s3 =	sand.u32 $0x4000, s31;
	s1 =	sadd.s32 s1, s30  }
0xba: {  	s0 =	sor.u32 s3, s0;
	s1 =	sshll.u32 s1, $0x11  }
0xbb: {  	s0 =	sor.u32 s1, s0  }
0xbc: {  	s0 =	sadd.s32 $0x8F2B, s0  }
0xbd: {  	[sflag:s0] =	ssyncadd.remote.s32 $0x1  }
0xbe: {  	_ =	sfence.sel $0xFFFF  }
0xbf: {  	[dreg:$0x0] =	wrdreg $0xFFFFFFFF;
	(pc) =	sbr.abs _section_cstart, $3  }
0xc0: {  	[dreg:$0x1] =	wrdreg $0xFFFFFFFF  }
0xc1: {  	_ =	task.clear_ibuf [dreg:s6], $0x2FFFF;
	_ =	strace $0x9FFFFFFF  }
0xc2: {  	(tm) =	ssettm $0x7FFFFFFF  }
0xc3: {  	_ =	shalt  }
tec
execute0_lowered:
.L_overlay_start_1:
0x0: {  	(tag) =	ssettag $0x1  }
0x1: {  	s0 =	srdreg.scid;
	s5 =	rddreg [dreg:$0x0]  }
0x2: {  	s2 =	rddreg [dreg:$0x1];
	s1 =	stileid.u32  }
0x3: {  	s3 =	simm.s32 $0x0;
	s14 =	simm.s32 $0x2800;
	s15 =	simm.s32 $0x5000  }
0x4: {  	s16 =	simm.s32 $0x80;
	s6 =	sand.u32 $0x1, s0;
	s0 =	rddreg [dreg:$0x2]  }
0x5: {  	s20 =	simm.s32 $0x0;
	[smem:$0x7FF] =	sst s3;
	s8 =	smul.u32 $0x4F000, s1  }
0x6: {  	s18 =	smul.u32 $0x2780, s1;
	s31 =	sshll.u32 s1, $0x6;
	s4 =	sshll.u32 s6, $0x4  }
0x7: {  	_ =	strace $0x8000004A;
	s9 =	smul.u32 $0x27800, s6;
	s6 =	ssub.s32 $0x2, s6  }
0x8: {  	s4 =	sor.u32 s1, s4;
	s10 =	sshrl.u32 s6, $0x1;
	s8 =	sshrl.u32 s8, $0x2  }
0x9: {  	s7 =	smul.u32 $0x500, s4;
	s12 =	sadd.s32 s9, s5;
	s13 =	ssub.s32 s6, s10  }
0xa: {  	s4 =	sadd.s32 $0x20600, s5;
	s17 =	sadd.s32 $0x47E00, s12;
	s12 =	smax.u32 s13, $0x1  }
0xb: {  	s13 =	simm.s32 $0x1;
	s7 =	sadd.s32 s7, s5;
	s5 =	sadd.s32 s8, s2  }
0xc: {  	s17 =	sadd.s32 s18, s17;
	s18 =	sor.u32 $0x1C01, s31;
	s6 =	sadd.s32 $0x16600, s7  }
0xd: {  	s7 =	sadd.s32 $0x2800, s7;
	s8 =	sadd.s32 $0x4000, s5;
	s9 =	sadd.s32 $0x8000, s5  }
0xe: {  	v0 =	vimm.f32 $0.0e+00;
	s10 =	sadd.s32 $0xC000, s5;
	s11 =	sadd.s32 $0x10000, s5;
	s19 =	sshrl.u32 s5, $0x3  }
.LBB2_1:
0xf: {  	[tilespmem:s3], [sflag:$0x1] =	stream.linear.gather [hbm4b:s6+s3], $0x2780, $0x38;
	[tilespmem:$0x1CC00] =	vst v63  }
0x10: {  	_ =	swait.ge [sflag:s13], $0x2780  }
0x11: {  	[sflag:s13] =	ssyncset.done $0x0  }
0x12: {  	[sflag:s13] =	ssyncadd.s32 $0xFFFFD880  }
0x13: {  	[tilespmem:s14], [sflag:$0x1] =	stream.linear.gather [hbm4b:s7+s3], $0x2780, $0x38;
	[tilespmem:$0x1CC00] =	vst v63  }
0x14: {  	_ =	swait.ge [sflag:s13], $0x2780  }
0x15: {  	[sflag:s13] =	ssyncset.done $0x0  }
0x16: {  	s21 =	simm.s32 $0x0;
	s22 =	simm.s32 $0x200;
	[sflag:s13] =	ssyncadd.s32 $0xFFFFD880  }
.LBB2_2:
0x17: {  	p0 =	sne.s32 s22, $0xFE00;
	[tilespmem:s21+$0x5070] =	vst v0  }
0x18: {  	[tilespmem:s21+$0x5000] =	vst v0  }
0x19: {  	[tilespmem:s21+$0x5010] =	vst v0  }
.Ltmp0:
0x1a: {  	[tilespmem:s21+$0x5020] =	vst v0;
	(pc) =	sbr.rel @p0 .LBB2_2-.Ltmp0, $4  }
0x1b: {  	[tilespmem:s21+$0x5030] =	vst v0  }
0x1c: {  	[tilespmem:s21+$0x5040] =	vst v0  }
0x1d: {  	[tilespmem:s21+$0x5050] =	vst v0  }
0x1e: {  	[tilespmem:s21+$0x5060] =	vst v0;
	s21 =	sshra.s32 s22, $0x2;
	s22 =	sadd.s32 $0x200, s22  }
0x1f: {  	[tilespmem:s21+$0x5070] =	vst v0  }
0x20: {  	[tilespmem:s21+$0x5000] =	vst v0  }
0x21: {  	[tilespmem:s21+$0x5010] =	vst v0  }
0x22: {  	[tilespmem:s21+$0x5020] =	vst v0  }
0x23: {  	[tilespmem:s21+$0x5030] =	vst v0  }
0x24: {  	[tilespmem:s21+$0x5040] =	vst v0  }
0x25: {  	[tilespmem:s21+$0x5050] =	vst v0  }
0x26: {  	[tilespmem:s21+$0x5060] =	vst v0  }
0x27: {  	[spmem:s5] =	stream.linear.scatter [tilespmem:s15], [sflag:$0x1], $0x4000, $0x38;
	[tilespmem:$0x1CC00] =	vst v63  }
0x28: {  	_ =	swait.ge [sflag:s13], $0x4000  }
0x29: {  	[sflag:s13] =	ssyncset.done $0x0  }
0x2a: {  	[sflag:s13] =	ssyncadd.s32 $0xFFFFC000  }
0x2b: {  	[spmem:s8] =	stream.linear.scatter [tilespmem:s15], [sflag:$0x1], $0x4000, $0x38;
	[tilespmem:$0x1CC00] =	vst v63  }
0x2c: {  	_ =	swait.ge [sflag:s13], $0x4000  }
0x2d: {  	[sflag:s13] =	ssyncset.done $0x0  }
0x2e: {  	[sflag:s13] =	ssyncadd.s32 $0xFFFFC000  }
0x2f: {  	[spmem:s9] =	stream.linear.scatter [tilespmem:s15], [sflag:$0x1], $0x4000, $0x38;
	[tilespmem:$0x1CC00] =	vst v63  }
0x30: {  	_ =	swait.ge [sflag:s13], $0x4000  }
0x31: {  	[sflag:s13] =	ssyncset.done $0x0  }
0x32: {  	[sflag:s13] =	ssyncadd.s32 $0xFFFFC000  }
0x33: {  	[spmem:s10] =	stream.linear.scatter [tilespmem:s15], [sflag:$0x1], $0x4000, $0x38;
	[tilespmem:$0x1CC00] =	vst v63  }
0x34: {  	_ =	swait.ge [sflag:s13], $0x4000  }
0x35: {  	[sflag:s13] =	ssyncset.done $0x0  }
0x36: {  	[sflag:s13] =	ssyncadd.s32 $0xFFFFC000  }
0x37: {  	[spmem:s11] =	stream.linear.scatter [tilespmem:s15], [sflag:$0x1], $0x3C00, $0x38;
	[tilespmem:$0x1CC00] =	vst v63  }
0x38: {  	_ =	swait.ge [sflag:s13], $0x3C00  }
0x39: {  	[sflag:s13] =	ssyncset.done $0x0  }
0x3a: {  	[sflag:s13] =	ssyncadd.s32 $0xFFFFC400  }
0x3b: {  	s30 =	simm.s32 $0x0;
	[bflag:$0x0] =	sbarrier.arrive $0xFFFF  }
0x3c: {  	[tilespmem:s15], [sflag:$0x1] =	stream.indirect.gather [hbm4b:s4+s16], $0x80, s30, s16, $0xb8;
	[tilespmem:$0x1CC00] =	vst v63  }
0x3d: {  	_ =	swait.ge [sflag:s13], $0x4000  }
0x3e: {  	[sflag:s13] =	ssyncset.done $0x0  }
0x3f: {  	s31 =	simm.s32 $0x2800;
	[sflag:s13] =	ssyncadd.s32 $0xFFFFC000  }
0x40: {  	[spmem:s2] =	stream.indirect.scatter.add.f32 [tilespmem:s15], [sflag:$0x1], $0x80, s31, s16, $0xb8;
	[tilespmem:$0x1CC00] =	vst v63  }
0x41: {  	_ =	swait.ge [sflag:s13], $0x4000  }
0x42: {  	s21 =	simm.s32 $0x200;
	s22 =	simm.s32 $0x400;
	[sflag:s13] =	ssyncset.done $0x0  }
.LBB2_4:
0x43: {  	s23 =	sshra.s32 s21, $0x2  }
0x44: {  	[sflag:s13] =	ssyncadd.s32 $0xFFFFC000;
	s21 =	smov.u32 s22;
	s24 =	sadd.s32 $0x200, s22  }
0x45: {  	[tilespmem:s15], [sflag:$0x1] =	stream.indirect.gather [hbm4b:s4+s16], $0x80, s23, s16, $0xb8;
	[tilespmem:$0x1CC00] =	vst v63  }
0x46: {  	p0 =	sne.s32 s22, $0x9C00;
	_ =	swait.ge [sflag:s13], $0x4000  }
.Ltmp1:
0x47: {  	[sflag:s13] =	ssyncset.done $0x0;
	(pc) =	sbr.rel @p0 .LBB2_4-.Ltmp1, $4  }
0x48: {  	s22 =	sadd.s32 $0x2800, s23;
	[sflag:s13] =	ssyncadd.s32 $0xFFFFC000  }
0x49: {  	[spmem:s2] =	stream.indirect.scatter.add.f32 [tilespmem:s15], [sflag:$0x1], $0x80, s22, s16, $0xb8;
	[tilespmem:$0x1CC00] =	vst v63  }
0x4a: {  	_ =	swait.ge [sflag:s13], $0x4000  }
0x4b: {  	s22 =	smov.u32 s24;
	[sflag:s13] =	ssyncset.done $0x0  }
0x4c: {  	s21 =	sshra.s32 s21, $0x2;
	[sflag:s13] =	ssyncadd.s32 $0xFFFFC000  }
0x4d: {  	[tilespmem:s15], [sflag:$0x1] =	stream.indirect.gather [hbm4b:s4+s16], $0x80, s21, s16, $0xb8;
	[tilespmem:$0x1CC00] =	vst v63  }
0x4e: {  	_ =	swait.ge [sflag:s13], $0x4000  }
0x4f: {  	[sflag:s13] =	ssyncset.done $0x0  }
0x50: {  	s21 =	sadd.s32 $0x2800, s21;
	[sflag:s13] =	ssyncadd.s32 $0xFFFFC000  }
0x51: {  	[spmem:s2] =	stream.indirect.scatter.add.f32 [tilespmem:s15], [sflag:$0x1], $0x80, s21, s16, $0xb8;
	[tilespmem:$0x1CC00] =	vst v63  }
0x52: {  	_ =	swait.ge [sflag:s13], $0x4000  }
0x53: {  	s20 =	sadd.s32 $0x1, s20;
	[sflag:s13] =	ssyncset.done $0x0  }
0x54: {  	p0 =	sne.s32 s20, s12;
	[sflag:s13] =	ssyncadd.s32 $0xFFFFC000  }
.Ltmp2:
0x55: {  	[bflag:$0x0] =	sbarrier.arrive $0xFFFF;
	(pc) =	sbr.rel @p0 .LBB2_1-.Ltmp2, $4  }
0x56: {  	[hbm:s17], [sflag:s18] =	dma.local [spmem:s19], $0x2780  }
0x57: {  	_ =	swait.ge [sflag:s13], $0x2780  }
0x58: {  	[sflag:s13] =	ssyncset.done $0x0  }
0x59: {  	[sflag:s13] =	ssyncadd.s32 $0xFFFFD880  }
0x5a: {  	_ =	sfence.sel $0x180000  }
0x5b: {  	[bflag:$0x0] =	sbarrier.arrive $0xFFFF  }
0x5c: {  	p0 =	sne.s32 s1, $0x0;
	_ =	strace $0x9000004A  }
0x5d: {  	s0 =	sadd.s32 @!p0 $0x100000, s0;
	[bflag:$0x2] =	sbarrier.arrive $0xFFFF  }
0x5e: {  	[sflag:s0] =	ssyncadd.tile.s32 @!p0 $0x1;
	_ =	shalt  }
.Lfunc_end2:
_tile_overlayer_lowered:
.L_overlay_start_2:
0x5f: {  	(tag) =	ssettag $0x2  }
0x60: {  	s0 =	rddreg [dreg:$0x0];
	s2 =	stileid.u32  }
0x61: {  	s1 =	rddreg [dreg:$0x1];
	p0 =	sne.s32 s2, $0x0  }
0x62: {  	s3 =	rddreg [dreg:$0x2];
	[bflag:$0x3] =	sbarrier.arrive $0xFFFF;
	s2 =	simm.s32 @!p0 $0x1C01  }
0x63: {  	[timem:s3], [sflag:s2] =	dma.local @!p0 [hbm:s0], s1  }
0x64: {  	s0 =	simm.s32 @!p0 $0x1  }
0x65: {  	_ =	swait.ge @!p0 [sflag:s0], s1  }
0x66: {  	s1 =	ssub.s32 @!p0 $0x0, s1;
	[sflag:s0] =	ssyncset.done @!p0 $0x0  }
0x67: {  	[sflag:s0] =	ssyncadd.s32 @!p0 s1  }
0x68: {  	[bflag:$0x3] =	sbarrier.arrive $0xFFFF  }
0x69: {  	_ =	shalt  }

// kernel: kernel.16.cloned.1.call-start
scs
__scs_entry_jumppad:
0x0: {  	(pc) =	sbr.rel $0x88, $3  }
0x1: {  	(tag) =	ssettag $0x0;
	lr =	simm.s32 $0x1  }
0x2: {  	[smem:$0x3F99] =	sst lr;
	_ =	strace $0xD0000000  }
0x3: {  	_ = 	snop  }
0x4: {  	_ = 	snop  }
0x5: {  	_ = 	snop  }
0x6: {  	_ = 	snop  }
0x7: {  	_ = 	snop  }
__scs_overlays_trampoline_lowered:
0x8: {  	[smem:$0x3FA8] =	sst s0  }
0x9: {  	[smem:$0x3FA9] =	sst s1  }
0xa: {  	[smem:$0x3FAA] =	sst s2  }
0xb: {  	[smem:$0x3FAB] =	sst s3  }
0xc: {  	[smem:$0x3FAC] =	sst s4  }
0xd: {  	[smem:$0x3FAD] =	sst s5  }
0xe: {  	[smem:$0x3FAE] =	sst s6  }
0xf: {  	[smem:$0x3FAF] =	sst s7  }
0x10: {  	[smem:$0x3FB0] =	sst s8  }
0x11: {  	[smem:$0x3FB1] =	sst s9;
	s0 =	simm.s32 @!p0 $0x0  }
0x12: {  	s1 =	sld [smem:$0x3F97];
	s0 =	simm.s32 @p0 $0x1  }
0x13: {  	[smem:$0x3FB2] =	sst s0;
	s0 =	simm.s32 @!p1 $0x0  }
0x14: {  	s2 =	sld [smem:$0x3F96];
	s0 =	simm.s32 @p1 $0x1  }
0x15: {  	[smem:$0x3FB3] =	sst s0;
	s0 =	simm.s32 @!p2 $0x0  }
0x16: {  	s3 =	sld [smem:$0x3FDB];
	s0 =	simm.s32 @p2 $0x1  }
0x17: {  	s4 =	simm.s32 $0x1BF5;
	[smem:$0x3FB5] =	sst s0  }
0x18: {  	s0 =	sld [smem:$0x3F98];
	_ =	swait.ge [sflag:s4], $0x0  }
0x19: {  	s7 =	sld [smem:$0x3F99]  }
0x1a: {  	s8 =	sadd.s32 $0xFFFFE003, lr  }
0x1b: {  	s9 =	sadd.s32 $0xFFFFFEF7, lr;
	s5 =	simm.s32 $0xFFFFFFFF;
	p2 =	slt.u32 s8, $0xFFFFF086  }
0x1c: {  	p1 =	slt.u32 s9, $0xF7A;
	s5 =	simm.s32 @!p2 $0x0  }
0x1d: {  	s5 =	simm.s32 @p1 $0x1;
	p0 =	seq.s32 s7, s2  }
0x1e: {  	s7 =	smul.u32 @!p0 $0xF7A, s2;
	p2 =	seq.s32 @!p0 s5, $0x0  }
0x1f: {  	s9 =	smul.u32 $0xF7A, s1;
	s8 =	simm.s32 @!p0 $0x1BF5;
	p2 =	por !p2, p0  }
0x20: {  	[sflag:s8] =	ssyncset.s32 @!p0 $0xFFFFF086;
	s6 =	sadd.s32 @!p0 s3, s7;
	s7 =	simm.s32 @!p0 $0x108  }
0x21: {  	s3 =	sadd.s32 s3, s9;
	s6 =	sadd.s32 @!p0 $0x88, s6;
	s7 =	simm.s32 @p2 $0x1082  }
0x22: {  	[simem:s7], [sflag:s8] =	dma.local @!p0 [hbm:s6], $0xF7A  }
0x23: {  	s9 =	sor.u32 $0xD0000000, s2;
	s6 =	simm.s32 $0x108;
	_ =	swait.ge @!p0 [sflag:s8], $0x0  }
0x24: {  	s3 =	sadd.s32 $0x88, s3;
	s6 =	simm.s32 @!p1 $0x1082;
	[sflag:s4] =	ssyncset.s32 $0xFFFFF086  }
0x25: {  	[simem:s6], [sflag:s4] =	dma.local [hbm:s3], $0xF7A  }
0x26: {  	[smem:$0x3F99] =	sst s1;
	(tag) =	ssettag s2;
	_ =	strace s9  }
0x27: {  	s1 =	sld [smem:$0x3FA9]  }
0x28: {  	s2 =	sld [smem:$0x3FAA]  }
0x29: {  	s4 =	sld [smem:$0x3FAC]  }
0x2a: {  	p0 =	seq.s32 s5, $0x0;
	s5 =	sld [smem:$0x3FAD]  }
0x2b: {  	s6 =	sld [smem:$0x3FAE]  }
0x2c: {  	s7 =	sld [smem:$0x3FAF]  }
0x2d: {  	s3 =	simm.s32 $0x108;
	s8 =	sld [smem:$0x3FB0]  }
0x2e: {  	s3 =	simm.s32 @!p0 $0x1082;
	s9 =	sld [smem:$0x3FB1]  }
0x2f: {  	lr =	sadd.s32 s0, s3;
	s0 =	sld [smem:$0x3FA8]  }
0x30: {  	s3 =	sld [smem:$0x3FAB]  }
0x31: {  	[smem:$0x3FB4] =	sst s10  }
0x32: {  	s10 =	sld [smem:$0x3FB2];
	_ =	sdelay $0x3  }
0x33: {  	p0 =	seq.s32 s10, $0x1;
	s10 =	sld [smem:$0x3FB4];
	_ =	sdelay $0x3  }
0x34: {  	[smem:$0x3FB4] =	sst s10  }
0x35: {  	s10 =	sld [smem:$0x3FB3];
	_ =	sdelay $0x3  }
0x36: {  	p1 =	seq.s32 s10, $0x1;
	s10 =	sld [smem:$0x3FB4];
	_ =	sdelay $0x3  }
0x37: {  	[smem:$0x3FB4] =	sst s10  }
0x38: {  	s10 =	sld [smem:$0x3FB5]  }
0x39: {  	_ = 	snop;
	(pc) =	sbr.ind lr, $3  }
0x3a: {  	_ = 	snop  }
0x3b: {  	_ = 	snop  }
0x3c: {  	p2 =	seq.s32 s10, $0x1;
	s10 =	sld [smem:$0x3FB4]  }
0x3d: {  	_ =	shalt  }
0x3e: {  	_ =	shalt  }
0x3f: {  	_ =	shalt  }
0x40: {  	_ =	shalt  }
0x41: {  	_ =	shalt  }
0x42: {  	_ =	shalt  }
0x43: {  	_ =	shalt  }
0x44: {  	_ =	shalt  }
0x45: {  	_ =	shalt  }
0x46: {  	_ =	shalt  }
0x47: {  	_ =	shalt  }
0x48: {  	_ =	shalt  }
0x49: {  	_ =	shalt  }
0x4a: {  	_ =	shalt  }
0x4b: {  	_ =	shalt  }
0x4c: {  	_ =	shalt  }
0x4d: {  	_ =	shalt  }
0x4e: {  	_ =	shalt  }
0x4f: {  	_ =	shalt  }
0x50: {  	_ =	shalt  }
0x51: {  	_ =	shalt  }
0x52: {  	_ =	shalt  }
0x53: {  	_ =	shalt  }
0x54: {  	_ =	shalt  }
0x55: {  	_ =	shalt  }
0x56: {  	_ =	shalt  }
0x57: {  	_ =	shalt  }
0x58: {  	_ =	shalt  }
0x59: {  	_ =	shalt  }
0x5a: {  	_ =	shalt  }
0x5b: {  	_ =	shalt  }
0x5c: {  	_ =	shalt  }
0x5d: {  	_ =	shalt  }
0x5e: {  	_ =	shalt  }
0x5f: {  	_ =	shalt  }
0x60: {  	_ =	shalt  }
0x61: {  	_ =	shalt  }
0x62: {  	_ =	shalt  }
0x63: {  	_ =	shalt  }
0x64: {  	_ =	shalt  }
0x65: {  	_ =	shalt  }
0x66: {  	_ =	shalt  }
0x67: {  	_ =	shalt  }
0x68: {  	_ =	shalt  }
0x69: {  	_ =	shalt  }
0x6a: {  	_ =	shalt  }
0x6b: {  	_ =	shalt  }
0x6c: {  	_ =	shalt  }
0x6d: {  	_ =	shalt  }
0x6e: {  	_ =	shalt  }
0x6f: {  	_ =	shalt  }
0x70: {  	_ =	shalt  }
0x71: {  	_ =	shalt  }
0x72: {  	_ =	shalt  }
0x73: {  	_ =	shalt  }
0x74: {  	_ =	shalt  }
0x75: {  	_ =	shalt  }
0x76: {  	_ =	shalt  }
0x77: {  	_ =	shalt  }
0x78: {  	_ =	shalt  }
0x79: {  	_ =	shalt  }
0x7a: {  	_ =	shalt  }
0x7b: {  	_ =	shalt  }
0x7c: {  	_ =	shalt  }
0x7d: {  	_ =	shalt  }
0x7e: {  	_ =	shalt  }
0x7f: {  	_ =	shalt  }
0x80: {  	_ =	shalt  }
0x81: {  	_ =	shalt  }
0x82: {  	_ =	shalt  }
0x83: {  	_ =	shalt  }
0x84: {  	_ =	shalt  }
0x85: {  	_ =	shalt  }
0x86: {  	_ =	shalt  }
0x87: {  	_ =	shalt  }
.Lfunc_end0:
.L_simem_size_0:
called_computation.2_lowered:
.L_overlay_start_0:
0x88: {  	s2 =	sld [smem:$0x3FD9]  }
0x89: {  	s3 =	sld [smem:$0x3FFE];
	_ =	sdelay $0x1  }
0x8a: {  	s1 =	srdreg.scid  }
0x8b: {  	s0 =	sand.u32 $0x1, s1  }
0x8c: {  	s16 =	sshll.u32 s0, $0xA;
	s2 =	sadd.s32 s3, s2  }
0x8d: {  	s2 =	sadd.s32 s2, s16  }
0x8e: {  	[smem:$0x3FC0] =	sst s2  }
0x8f: {  	_ = 	snop  }
0x90: {  	(tm) =	ssettm $0x1  }
0x91: {  	s17 =	sld [smem:$0x3FFB];
	_ =	sdelay $0x3  }
0x92: {  	_ =	strace s17  }
0x93: {  	s2 =	sld [smem:$0x3FFC];
	_ =	sdelay $0x3  }
0x94: {  	_ =	strace s2  }
0x95: {  	s2 =	sld [smem:$0x3FFD];
	_ =	sdelay $0x3  }
0x96: {  	_ =	strace s2  }
0x97: {  	_ =	strace $0x8FFFFFFF  }
0x98: {  	s18 =	sld [smem:$0x3FDB];
	_ =	sdelay $0x1  }
0x99: {  	s19 =	simm.s32 $_scs_section_size  }
0x9a: {  	s4 =	simm.s32 $_size__tile_overlayer_lowered;
	s5 =	simm.s32 $_tile_overlayer_lowered  }
0x9b: {  	s22 =	simm.s32 $0x1BFF;
	s21 =	sshll.u32 s5, $0x1;
	s2 =	sadd.s32 s19, s18  }
0x9c: {  	s6 =	simm.s32 $0x0;
	s20 =	sshll.u32 s4, $0x1;
	s4 =	sadd.s32 s21, s2  }
0x9d: {  	[timem:s6], [sflag:s22] =	dma.local [hbm:s4], s20  }
0x9e: {  	_ =	swait.ge [sflag:s22], s20  }
0x9f: {  	s3 =	ssub.s32 $0x0, s20;
	[sflag:s22] =	ssyncset.done $0x0  }
0xa0: {  	[sflag:s22] =	ssyncadd.s32 s3;
	_ =	sdelay $0x1  }
0xa1: {  	s23 =	simm.s32 $0x1B8B  }
0xa2: {  	_ =	swait.ge [sflag:s23], $0x1  }
0xa3: {  	[sflag:s23] =	ssyncset.done $0x0  }
0xa4: {  	s25 =	simm.s32 $0x1B8E;
	s24 =	sld [smem:$0x3FFE];
	[sflag:s23] =	ssyncadd.s32 $0xFFFFFFFF  }
0xa5: {  	s26 =	simm.s32 $execute0_lowered;
	[smem:$0x3FD2] =	sst s25  }
0xa6: {  	s4 =	sshll.u32 s26, $0x1;
	_ =	strace $0x8000004C;
	[dreg:$0x1] =	wrdreg $0xFFFFFFFF  }
0xa7: {  	s28 =	simm.s32 $_size_execute0_lowered;
	s2 =	sadd.s32 s2, s4;
	[dreg:$0x0] =	wrdreg $0x0  }
0xa8: {  	s4 =	sshll.u32 s28, $0x1;
	[dreg:$0x2] =	wrdreg s2  }
0xa9: {  	[dreg:$0x3] =	wrdreg s4  }
0xaa: {  	[dreg:$0x4] =	wrdreg $0xC0  }
0xab: {  	_ =	task [dreg:s6], $0x5FFFF  }
0xac: {  	[dreg:$0x1] =	wrdreg $0xFFFFFFFF  }
0xad: {  	[dreg:$0x0] =	wrdreg $0x60  }
0xae: {  	[dreg:$0x2] =	wrdreg s24  }
0xaf: {  	[dreg:$0x3] =	wrdreg $0x90000  }
0xb0: {  	[dreg:$0x4] =	wrdreg $0x9  }
0xb1: {  	_ =	task.clear_ibuf [dreg:s6], $0x5FFFF;
	_ =	strace $0x9000004C  }
0xb2: {  	s29 =	simm.s32 $0x9;
	_ =	strace $0x8000004E  }
0xb3: {  	_ =	swait.ge [sflag:s29], $0x1  }
0xb4: {  	[sflag:s29] =	ssyncadd.s32 $0xFFFFFFFF  }
0xb5: {  	_ =	strace $0x9000004E  }
0xb6: {  	_ =	sfence  }
0xb7: {  	s30 =	sld [smem:$0x0];
	_ =	sdelay $0x2  }
0xb8: {  	s31 =	sshll.u32 s1, $0xD;
	s1 =	sshrl.u32 s1, $0x2  }
0xb9: {  	s3 =	sand.u32 $0x4000, s31;
	s1 =	sadd.s32 s1, s30  }
0xba: {  	s0 =	sor.u32 s3, s0;
	s1 =	sshll.u32 s1, $0x11  }
0xbb: {  	s0 =	sor.u32 s1, s0  }
0xbc: {  	s0 =	sadd.s32 $0x8F2B, s0  }
0xbd: {  	[sflag:s0] =	ssyncadd.remote.s32 $0x1  }
0xbe: {  	_ =	sfence.sel $0xFFFF  }
0xbf: {  	[dreg:$0x0] =	wrdreg $0xFFFFFFFF;
	(pc) =	sbr.abs _section_cstart, $3  }
0xc0: {  	[dreg:$0x1] =	wrdreg $0xFFFFFFFF  }
0xc1: {  	_ =	task.clear_ibuf [dreg:s6], $0x2FFFF;
	_ =	strace $0x9FFFFFFF  }
0xc2: {  	(tm) =	ssettm $0x7FFFFFFF  }
0xc3: {  	_ =	shalt  }
tec
execute0_lowered:
.L_overlay_start_1:
0x0: {  	(tag) =	ssettag $0x1  }
0x1: {  	s0 =	srdreg.scid;
	s5 =	rddreg [dreg:$0x0]  }
0x2: {  	s2 =	rddreg [dreg:$0x1];
	s1 =	stileid.u32  }
0x3: {  	s3 =	simm.s32 $0x0;
	s14 =	simm.s32 $0x2800;
	s15 =	simm.s32 $0x5000  }
0x4: {  	s16 =	simm.s32 $0x80;
	s6 =	sand.u32 $0x1, s0;
	s0 =	rddreg [dreg:$0x2]  }
0x5: {  	s20 =	simm.s32 $0x0;
	[smem:$0x7FF] =	sst s3;
	s8 =	smul.u32 $0x4F000, s1  }
0x6: {  	s18 =	smul.u32 $0x2780, s1;
	s31 =	sshll.u32 s1, $0x6;
	s4 =	sshll.u32 s6, $0x4  }
0x7: {  	_ =	strace $0x8000004D;
	s9 =	smul.u32 $0x27800, s6;
	s6 =	ssub.s32 $0x2, s6  }
0x8: {  	s4 =	sor.u32 s1, s4;
	s10 =	sshrl.u32 s6, $0x1;
	s8 =	sshrl.u32 s8, $0x2  }
0x9: {  	s7 =	smul.u32 $0x500, s4;
	s12 =	sadd.s32 s9, s5;
	s13 =	ssub.s32 s6, s10  }
0xa: {  	s4 =	sadd.s32 $0x20600, s5;
	s17 =	sadd.s32 $0x47E00, s12;
	s12 =	smax.u32 s13, $0x1  }
0xb: {  	s13 =	simm.s32 $0x1;
	s7 =	sadd.s32 s7, s5;
	s5 =	sadd.s32 s8, s2  }
0xc: {  	s17 =	sadd.s32 s18, s17;
	s18 =	sor.u32 $0x1C01, s31;
	s6 =	sadd.s32 $0x16600, s7  }
0xd: {  	s7 =	sadd.s32 $0x2800, s7;
	s8 =	sadd.s32 $0x4000, s5;
	s9 =	sadd.s32 $0x8000, s5  }
0xe: {  	v0 =	vimm.f32 $0.0e+00;
	s10 =	sadd.s32 $0xC000, s5;
	s11 =	sadd.s32 $0x10000, s5;
	s19 =	sshrl.u32 s5, $0x3  }
.LBB2_1:
0xf: {  	[tilespmem:s3], [sflag:$0x1] =	stream.linear.gather [hbm4b:s6+s3], $0x2780, $0x38;
	[tilespmem:$0x1CC00] =	vst v63  }
0x10: {  	_ =	swait.ge [sflag:s13], $0x2780  }
0x11: {  	[sflag:s13] =	ssyncset.done $0x0  }
0x12: {  	[sflag:s13] =	ssyncadd.s32 $0xFFFFD880  }
0x13: {  	[tilespmem:s14], [sflag:$0x1] =	stream.linear.gather [hbm4b:s7+s3], $0x2780, $0x38;
	[tilespmem:$0x1CC00] =	vst v63  }
0x14: {  	_ =	swait.ge [sflag:s13], $0x2780  }
0x15: {  	[sflag:s13] =	ssyncset.done $0x0  }
0x16: {  	s21 =	simm.s32 $0x0;
	s22 =	simm.s32 $0x200;
	[sflag:s13] =	ssyncadd.s32 $0xFFFFD880  }
.LBB2_2:
0x17: {  	p0 =	sne.s32 s22, $0xFE00;
	[tilespmem:s21+$0x5070] =	vst v0  }
0x18: {  	[tilespmem:s21+$0x5000] =	vst v0  }
0x19: {  	[tilespmem:s21+$0x5010] =	vst v0  }
.Ltmp0:
0x1a: {  	[tilespmem:s21+$0x5020] =	vst v0;
	(pc) =	sbr.rel @p0 .LBB2_2-.Ltmp0, $4  }
0x1b: {  	[tilespmem:s21+$0x5030] =	vst v0  }
0x1c: {  	[tilespmem:s21+$0x5040] =	vst v0  }
0x1d: {  	[tilespmem:s21+$0x5050] =	vst v0  }
0x1e: {  	[tilespmem:s21+$0x5060] =	vst v0;
	s21 =	sshra.s32 s22, $0x2;
	s22 =	sadd.s32 $0x200, s22  }
0x1f: {  	[tilespmem:s21+$0x5070] =	vst v0  }
0x20: {  	[tilespmem:s21+$0x5000] =	vst v0  }
0x21: {  	[tilespmem:s21+$0x5010] =	vst v0  }
0x22: {  	[tilespmem:s21+$0x5020] =	vst v0  }
0x23: {  	[tilespmem:s21+$0x5030] =	vst v0  }
0x24: {  	[tilespmem:s21+$0x5040] =	vst v0  }
0x25: {  	[tilespmem:s21+$0x5050] =	vst v0  }
0x26: {  	[tilespmem:s21+$0x5060] =	vst v0  }
0x27: {  	[spmem:s5] =	stream.linear.scatter [tilespmem:s15], [sflag:$0x1], $0x4000, $0x38;
	[tilespmem:$0x1CC00] =	vst v63  }
0x28: {  	_ =	swait.ge [sflag:s13], $0x4000  }
0x29: {  	[sflag:s13] =	ssyncset.done $0x0  }
0x2a: {  	[sflag:s13] =	ssyncadd.s32 $0xFFFFC000  }
0x2b: {  	[spmem:s8] =	stream.linear.scatter [tilespmem:s15], [sflag:$0x1], $0x4000, $0x38;
	[tilespmem:$0x1CC00] =	vst v63  }
0x2c: {  	_ =	swait.ge [sflag:s13], $0x4000  }
0x2d: {  	[sflag:s13] =	ssyncset.done $0x0  }
0x2e: {  	[sflag:s13] =	ssyncadd.s32 $0xFFFFC000  }
0x2f: {  	[spmem:s9] =	stream.linear.scatter [tilespmem:s15], [sflag:$0x1], $0x4000, $0x38;
	[tilespmem:$0x1CC00] =	vst v63  }
0x30: {  	_ =	swait.ge [sflag:s13], $0x4000  }
0x31: {  	[sflag:s13] =	ssyncset.done $0x0  }
0x32: {  	[sflag:s13] =	ssyncadd.s32 $0xFFFFC000  }
0x33: {  	[spmem:s10] =	stream.linear.scatter [tilespmem:s15], [sflag:$0x1], $0x4000, $0x38;
	[tilespmem:$0x1CC00] =	vst v63  }
0x34: {  	_ =	swait.ge [sflag:s13], $0x4000  }
0x35: {  	[sflag:s13] =	ssyncset.done $0x0  }
0x36: {  	[sflag:s13] =	ssyncadd.s32 $0xFFFFC000  }
0x37: {  	[spmem:s11] =	stream.linear.scatter [tilespmem:s15], [sflag:$0x1], $0x3C00, $0x38;
	[tilespmem:$0x1CC00] =	vst v63  }
0x38: {  	_ =	swait.ge [sflag:s13], $0x3C00  }
0x39: {  	[sflag:s13] =	ssyncset.done $0x0  }
0x3a: {  	[sflag:s13] =	ssyncadd.s32 $0xFFFFC400  }
0x3b: {  	s30 =	simm.s32 $0x0;
	[bflag:$0x0] =	sbarrier.arrive $0xFFFF  }
0x3c: {  	[tilespmem:s15], [sflag:$0x1] =	stream.indirect.gather [hbm4b:s4+s16], $0x80, s30, s16, $0xb8;
	[tilespmem:$0x1CC00] =	vst v63  }
0x3d: {  	_ =	swait.ge [sflag:s13], $0x4000  }
0x3e: {  	[sflag:s13] =	ssyncset.done $0x0  }
0x3f: {  	s31 =	simm.s32 $0x2800;
	[sflag:s13] =	ssyncadd.s32 $0xFFFFC000  }
0x40: {  	[spmem:s2] =	stream.indirect.scatter.add.f32 [tilespmem:s15], [sflag:$0x1], $0x80, s31, s16, $0xb8;
	[tilespmem:$0x1CC00] =	vst v63  }
0x41: {  	_ =	swait.ge [sflag:s13], $0x4000  }
0x42: {  	s21 =	simm.s32 $0x200;
	s22 =	simm.s32 $0x400;
	[sflag:s13] =	ssyncset.done $0x0  }
.LBB2_4:
0x43: {  	s23 =	sshra.s32 s21, $0x2  }
0x44: {  	[sflag:s13] =	ssyncadd.s32 $0xFFFFC000;
	s21 =	smov.u32 s22;
	s24 =	sadd.s32 $0x200, s22  }
0x45: {  	[tilespmem:s15], [sflag:$0x1] =	stream.indirect.gather [hbm4b:s4+s16], $0x80, s23, s16, $0xb8;
	[tilespmem:$0x1CC00] =	vst v63  }
0x46: {  	p0 =	sne.s32 s22, $0x9C00;
	_ =	swait.ge [sflag:s13], $0x4000  }
.Ltmp1:
0x47: {  	[sflag:s13] =	ssyncset.done $0x0;
	(pc) =	sbr.rel @p0 .LBB2_4-.Ltmp1, $4  }
0x48: {  	s22 =	sadd.s32 $0x2800, s23;
	[sflag:s13] =	ssyncadd.s32 $0xFFFFC000  }
0x49: {  	[spmem:s2] =	stream.indirect.scatter.add.f32 [tilespmem:s15], [sflag:$0x1], $0x80, s22, s16, $0xb8;
	[tilespmem:$0x1CC00] =	vst v63  }
0x4a: {  	_ =	swait.ge [sflag:s13], $0x4000  }
0x4b: {  	s22 =	smov.u32 s24;
	[sflag:s13] =	ssyncset.done $0x0  }
0x4c: {  	s21 =	sshra.s32 s21, $0x2;
	[sflag:s13] =	ssyncadd.s32 $0xFFFFC000  }
0x4d: {  	[tilespmem:s15], [sflag:$0x1] =	stream.indirect.gather [hbm4b:s4+s16], $0x80, s21, s16, $0xb8;
	[tilespmem:$0x1CC00] =	vst v63  }
0x4e: {  	_ =	swait.ge [sflag:s13], $0x4000  }
0x4f: {  	[sflag:s13] =	ssyncset.done $0x0  }
0x50: {  	s21 =	sadd.s32 $0x2800, s21;
	[sflag:s13] =	ssyncadd.s32 $0xFFFFC000  }
0x51: {  	[spmem:s2] =	stream.indirect.scatter.add.f32 [tilespmem:s15], [sflag:$0x1], $0x80, s21, s16, $0xb8;
	[tilespmem:$0x1CC00] =	vst v63  }
0x52: {  	_ =	swait.ge [sflag:s13], $0x4000  }
0x53: {  	s20 =	sadd.s32 $0x1, s20;
	[sflag:s13] =	ssyncset.done $0x0  }
0x54: {  	p0 =	sne.s32 s20, s12;
	[sflag:s13] =	ssyncadd.s32 $0xFFFFC000  }
.Ltmp2:
0x55: {  	[bflag:$0x0] =	sbarrier.arrive $0xFFFF;
	(pc) =	sbr.rel @p0 .LBB2_1-.Ltmp2, $4  }
0x56: {  	[hbm:s17], [sflag:s18] =	dma.local [spmem:s19], $0x2780  }
0x57: {  	_ =	swait.ge [sflag:s13], $0x2780  }
0x58: {  	[sflag:s13] =	ssyncset.done $0x0  }
0x59: {  	[sflag:s13] =	ssyncadd.s32 $0xFFFFD880  }
0x5a: {  	_ =	sfence.sel $0x180000  }
0x5b: {  	[bflag:$0x0] =	sbarrier.arrive $0xFFFF  }
0x5c: {  	p0 =	sne.s32 s1, $0x0;
	_ =	strace $0x9000004D  }
0x5d: {  	s0 =	sadd.s32 @!p0 $0x100000, s0;
	[bflag:$0x2] =	sbarrier.arrive $0xFFFF  }
0x5e: {  	[sflag:s0] =	ssyncadd.tile.s32 @!p0 $0x1;
	_ =	shalt  }
.Lfunc_end2:
_tile_overlayer_lowered:
.L_overlay_start_2:
0x5f: {  	(tag) =	ssettag $0x2  }
0x60: {  	s0 =	rddreg [dreg:$0x0];
	s2 =	stileid.u32  }
0x61: {  	s1 =	rddreg [dreg:$0x1];
	p0 =	sne.s32 s2, $0x0  }
0x62: {  	s3 =	rddreg [dreg:$0x2];
	[bflag:$0x3] =	sbarrier.arrive $0xFFFF;
	s2 =	simm.s32 @!p0 $0x1C01  }
0x63: {  	[timem:s3], [sflag:s2] =	dma.local @!p0 [hbm:s0], s1  }
0x64: {  	s0 =	simm.s32 @!p0 $0x1  }
0x65: {  	_ =	swait.ge @!p0 [sflag:s0], s1  }
0x66: {  	s1 =	ssub.s32 @!p0 $0x0, s1;
	[sflag:s0] =	ssyncset.done @!p0 $0x0  }
0x67: {  	[sflag:s0] =	ssyncadd.s32 @!p0 s1  }
0x68: {  	[bflag:$0x3] =	sbarrier.arrive $0xFFFF  }
0x69: {  	_ =	shalt  }

// kernel: kernel.19.cloned.1.call-start
scs
__scs_entry_jumppad:
0x0: {  	(pc) =	sbr.rel $0x88, $3  }
0x1: {  	(tag) =	ssettag $0x0;
	lr =	simm.s32 $0x1  }
0x2: {  	[smem:$0x3F99] =	sst lr;
	_ =	strace $0xD0000000  }
0x3: {  	_ = 	snop  }
0x4: {  	_ = 	snop  }
0x5: {  	_ = 	snop  }
0x6: {  	_ = 	snop  }
0x7: {  	_ = 	snop  }
__scs_overlays_trampoline_lowered:
0x8: {  	[smem:$0x3FA8] =	sst s0  }
0x9: {  	[smem:$0x3FA9] =	sst s1  }
0xa: {  	[smem:$0x3FAA] =	sst s2  }
0xb: {  	[smem:$0x3FAB] =	sst s3  }
0xc: {  	[smem:$0x3FAC] =	sst s4  }
0xd: {  	[smem:$0x3FAD] =	sst s5  }
0xe: {  	[smem:$0x3FAE] =	sst s6  }
0xf: {  	[smem:$0x3FAF] =	sst s7  }
0x10: {  	[smem:$0x3FB0] =	sst s8  }
0x11: {  	[smem:$0x3FB1] =	sst s9;
	s0 =	simm.s32 @!p0 $0x0  }
0x12: {  	s1 =	sld [smem:$0x3F97];
	s0 =	simm.s32 @p0 $0x1  }
0x13: {  	[smem:$0x3FB2] =	sst s0;
	s0 =	simm.s32 @!p1 $0x0  }
0x14: {  	s2 =	sld [smem:$0x3F96];
	s0 =	simm.s32 @p1 $0x1  }
0x15: {  	[smem:$0x3FB3] =	sst s0;
	s0 =	simm.s32 @!p2 $0x0  }
0x16: {  	s3 =	sld [smem:$0x3FDB];
	s0 =	simm.s32 @p2 $0x1  }
0x17: {  	s4 =	simm.s32 $0x1BF5;
	[smem:$0x3FB5] =	sst s0  }
0x18: {  	s0 =	sld [smem:$0x3F98];
	_ =	swait.ge [sflag:s4], $0x0  }
0x19: {  	s7 =	sld [smem:$0x3F99]  }
0x1a: {  	s8 =	sadd.s32 $0xFFFFE003, lr  }
0x1b: {  	s9 =	sadd.s32 $0xFFFFFEF7, lr;
	s5 =	simm.s32 $0xFFFFFFFF;
	p2 =	slt.u32 s8, $0xFFFFF086  }
0x1c: {  	p1 =	slt.u32 s9, $0xF7A;
	s5 =	simm.s32 @!p2 $0x0  }
0x1d: {  	s5 =	simm.s32 @p1 $0x1;
	p0 =	seq.s32 s7, s2  }
0x1e: {  	s7 =	smul.u32 @!p0 $0xF7A, s2;
	p2 =	seq.s32 @!p0 s5, $0x0  }
0x1f: {  	s9 =	smul.u32 $0xF7A, s1;
	s8 =	simm.s32 @!p0 $0x1BF5;
	p2 =	por !p2, p0  }
0x20: {  	[sflag:s8] =	ssyncset.s32 @!p0 $0xFFFFF086;
	s6 =	sadd.s32 @!p0 s3, s7;
	s7 =	simm.s32 @!p0 $0x108  }
0x21: {  	s3 =	sadd.s32 s3, s9;
	s6 =	sadd.s32 @!p0 $0x88, s6;
	s7 =	simm.s32 @p2 $0x1082  }
0x22: {  	[simem:s7], [sflag:s8] =	dma.local @!p0 [hbm:s6], $0xF7A  }
0x23: {  	s9 =	sor.u32 $0xD0000000, s2;
	s6 =	simm.s32 $0x108;
	_ =	swait.ge @!p0 [sflag:s8], $0x0  }
0x24: {  	s3 =	sadd.s32 $0x88, s3;
	s6 =	simm.s32 @!p1 $0x1082;
	[sflag:s4] =	ssyncset.s32 $0xFFFFF086  }
0x25: {  	[simem:s6], [sflag:s4] =	dma.local [hbm:s3], $0xF7A  }
0x26: {  	[smem:$0x3F99] =	sst s1;
	(tag) =	ssettag s2;
	_ =	strace s9  }
0x27: {  	s1 =	sld [smem:$0x3FA9]  }
0x28: {  	s2 =	sld [smem:$0x3FAA]  }
0x29: {  	s4 =	sld [smem:$0x3FAC]  }
0x2a: {  	p0 =	seq.s32 s5, $0x0;
	s5 =	sld [smem:$0x3FAD]  }
0x2b: {  	s6 =	sld [smem:$0x3FAE]  }
0x2c: {  	s7 =	sld [smem:$0x3FAF]  }
0x2d: {  	s3 =	simm.s32 $0x108;
	s8 =	sld [smem:$0x3FB0]  }
0x2e: {  	s3 =	simm.s32 @!p0 $0x1082;
	s9 =	sld [smem:$0x3FB1]  }
0x2f: {  	lr =	sadd.s32 s0, s3;
	s0 =	sld [smem:$0x3FA8]  }
0x30: {  	s3 =	sld [smem:$0x3FAB]  }
0x31: {  	[smem:$0x3FB4] =	sst s10  }
0x32: {  	s10 =	sld [smem:$0x3FB2];
	_ =	sdelay $0x3  }
0x33: {  	p0 =	seq.s32 s10, $0x1;
	s10 =	sld [smem:$0x3FB4];
	_ =	sdelay $0x3  }
0x34: {  	[smem:$0x3FB4] =	sst s10  }
0x35: {  	s10 =	sld [smem:$0x3FB3];
	_ =	sdelay $0x3  }
0x36: {  	p1 =	seq.s32 s10, $0x1;
	s10 =	sld [smem:$0x3FB4];
	_ =	sdelay $0x3  }
0x37: {  	[smem:$0x3FB4] =	sst s10  }
0x38: {  	s10 =	sld [smem:$0x3FB5]  }
0x39: {  	_ = 	snop;
	(pc) =	sbr.ind lr, $3  }
0x3a: {  	_ = 	snop  }
0x3b: {  	_ = 	snop  }
0x3c: {  	p2 =	seq.s32 s10, $0x1;
	s10 =	sld [smem:$0x3FB4]  }
0x3d: {  	_ =	shalt  }
0x3e: {  	_ =	shalt  }
0x3f: {  	_ =	shalt  }
0x40: {  	_ =	shalt  }
0x41: {  	_ =	shalt  }
0x42: {  	_ =	shalt  }
0x43: {  	_ =	shalt  }
0x44: {  	_ =	shalt  }
0x45: {  	_ =	shalt  }
0x46: {  	_ =	shalt  }
0x47: {  	_ =	shalt  }
0x48: {  	_ =	shalt  }
0x49: {  	_ =	shalt  }
0x4a: {  	_ =	shalt  }
0x4b: {  	_ =	shalt  }
0x4c: {  	_ =	shalt  }
0x4d: {  	_ =	shalt  }
0x4e: {  	_ =	shalt  }
0x4f: {  	_ =	shalt  }
0x50: {  	_ =	shalt  }
0x51: {  	_ =	shalt  }
0x52: {  	_ =	shalt  }
0x53: {  	_ =	shalt  }
0x54: {  	_ =	shalt  }
0x55: {  	_ =	shalt  }
0x56: {  	_ =	shalt  }
0x57: {  	_ =	shalt  }
0x58: {  	_ =	shalt  }
0x59: {  	_ =	shalt  }
0x5a: {  	_ =	shalt  }
0x5b: {  	_ =	shalt  }
0x5c: {  	_ =	shalt  }
0x5d: {  	_ =	shalt  }
0x5e: {  	_ =	shalt  }
0x5f: {  	_ =	shalt  }
0x60: {  	_ =	shalt  }
0x61: {  	_ =	shalt  }
0x62: {  	_ =	shalt  }
0x63: {  	_ =	shalt  }
0x64: {  	_ =	shalt  }
0x65: {  	_ =	shalt  }
0x66: {  	_ =	shalt  }
0x67: {  	_ =	shalt  }
0x68: {  	_ =	shalt  }
0x69: {  	_ =	shalt  }
0x6a: {  	_ =	shalt  }
0x6b: {  	_ =	shalt  }
0x6c: {  	_ =	shalt  }
0x6d: {  	_ =	shalt  }
0x6e: {  	_ =	shalt  }
0x6f: {  	_ =	shalt  }
0x70: {  	_ =	shalt  }
0x71: {  	_ =	shalt  }
0x72: {  	_ =	shalt  }
0x73: {  	_ =	shalt  }
0x74: {  	_ =	shalt  }
0x75: {  	_ =	shalt  }
0x76: {  	_ =	shalt  }
0x77: {  	_ =	shalt  }
0x78: {  	_ =	shalt  }
0x79: {  	_ =	shalt  }
0x7a: {  	_ =	shalt  }
0x7b: {  	_ =	shalt  }
0x7c: {  	_ =	shalt  }
0x7d: {  	_ =	shalt  }
0x7e: {  	_ =	shalt  }
0x7f: {  	_ =	shalt  }
0x80: {  	_ =	shalt  }
0x81: {  	_ =	shalt  }
0x82: {  	_ =	shalt  }
0x83: {  	_ =	shalt  }
0x84: {  	_ =	shalt  }
0x85: {  	_ =	shalt  }
0x86: {  	_ =	shalt  }
0x87: {  	_ =	shalt  }
.Lfunc_end0:
.L_simem_size_0:
called_computation.3_lowered:
.L_overlay_start_0:
0x88: {  	s2 =	sld [smem:$0x3FD9]  }
0x89: {  	s3 =	sld [smem:$0x3FFE];
	_ =	sdelay $0x1  }
0x8a: {  	s1 =	srdreg.scid  }
0x8b: {  	s0 =	sand.u32 $0x1, s1  }
0x8c: {  	s16 =	sshll.u32 s0, $0xA;
	s2 =	sadd.s32 s3, s2  }
0x8d: {  	s2 =	sadd.s32 s2, s16  }
0x8e: {  	[smem:$0x3FC0] =	sst s2  }
0x8f: {  	_ = 	snop  }
0x90: {  	(tm) =	ssettm $0x1  }
0x91: {  	s17 =	sld [smem:$0x3FFB];
	_ =	sdelay $0x3  }
0x92: {  	_ =	strace s17  }
0x93: {  	s2 =	sld [smem:$0x3FFC];
	_ =	sdelay $0x3  }
0x94: {  	_ =	strace s2  }
0x95: {  	s2 =	sld [smem:$0x3FFD];
	_ =	sdelay $0x3  }
0x96: {  	_ =	strace s2  }
0x97: {  	_ =	strace $0x8FFFFFFF  }
0x98: {  	s18 =	sld [smem:$0x3FDB];
	_ =	sdelay $0x1  }
0x99: {  	s19 =	simm.s32 $_scs_section_size  }
0x9a: {  	s4 =	simm.s32 $_size__tile_overlayer_lowered;
	s5 =	simm.s32 $_tile_overlayer_lowered  }
0x9b: {  	s22 =	simm.s32 $0x1BFF;
	s21 =	sshll.u32 s5, $0x1;
	s2 =	sadd.s32 s19, s18  }
0x9c: {  	s6 =	simm.s32 $0x0;
	s20 =	sshll.u32 s4, $0x1;
	s4 =	sadd.s32 s21, s2  }
0x9d: {  	[timem:s6], [sflag:s22] =	dma.local [hbm:s4], s20  }
0x9e: {  	_ =	swait.ge [sflag:s22], s20  }
0x9f: {  	s3 =	ssub.s32 $0x0, s20;
	[sflag:s22] =	ssyncset.done $0x0  }
0xa0: {  	[sflag:s22] =	ssyncadd.s32 s3;
	_ =	sdelay $0x1  }
0xa1: {  	s23 =	simm.s32 $0x1B8B  }
0xa2: {  	_ =	swait.ge [sflag:s23], $0x1  }
0xa3: {  	[sflag:s23] =	ssyncset.done $0x0  }
0xa4: {  	s25 =	simm.s32 $0x1B8E;
	s24 =	sld [smem:$0x3FFE];
	[sflag:s23] =	ssyncadd.s32 $0xFFFFFFFF  }
0xa5: {  	s26 =	simm.s32 $execute0_lowered;
	[smem:$0x3FD2] =	sst s25  }
0xa6: {  	s4 =	sshll.u32 s26, $0x1;
	_ =	strace $0x8000004F;
	[dreg:$0x1] =	wrdreg $0xFFFFFFFF  }
0xa7: {  	s28 =	simm.s32 $_size_execute0_lowered;
	s2 =	sadd.s32 s2, s4;
	[dreg:$0x0] =	wrdreg $0x0  }
0xa8: {  	s4 =	sshll.u32 s28, $0x1;
	[dreg:$0x2] =	wrdreg s2  }
0xa9: {  	[dreg:$0x3] =	wrdreg s4  }
0xaa: {  	[dreg:$0x4] =	wrdreg $0xC0  }
0xab: {  	_ =	task [dreg:s6], $0x5FFFF  }
0xac: {  	[dreg:$0x1] =	wrdreg $0xFFFFFFFF  }
0xad: {  	[dreg:$0x0] =	wrdreg $0x60  }
0xae: {  	[dreg:$0x2] =	wrdreg s24  }
0xaf: {  	[dreg:$0x3] =	wrdreg $0x9  }
0xb0: {  	_ =	task.clear_ibuf [dreg:s6], $0x4FFFF;
	_ =	strace $0x9000004F  }
0xb1: {  	s29 =	simm.s32 $0x9;
	_ =	strace $0x80000051  }
0xb2: {  	_ =	swait.ge [sflag:s29], $0x1  }
0xb3: {  	[sflag:s29] =	ssyncadd.s32 $0xFFFFFFFF  }
0xb4: {  	_ =	strace $0x90000051  }
0xb5: {  	_ =	sfence  }
0xb6: {  	s30 =	sld [smem:$0x0];
	_ =	sdelay $0x2  }
0xb7: {  	s31 =	sshll.u32 s1, $0xD;
	s1 =	sshrl.u32 s1, $0x2  }
0xb8: {  	s3 =	sand.u32 $0x4000, s31;
	s1 =	sadd.s32 s1, s30  }
0xb9: {  	s0 =	sor.u32 s3, s0;
	s1 =	sshll.u32 s1, $0x11  }
0xba: {  	s0 =	sor.u32 s1, s0  }
0xbb: {  	s0 =	sadd.s32 $0x8F2B, s0  }
0xbc: {  	[sflag:s0] =	ssyncadd.remote.s32 $0x1  }
0xbd: {  	_ =	sfence.sel $0xFFFF  }
0xbe: {  	[dreg:$0x0] =	wrdreg $0xFFFFFFFF;
	(pc) =	sbr.abs _section_cstart, $3  }
0xbf: {  	[dreg:$0x1] =	wrdreg $0xFFFFFFFF  }
0xc0: {  	_ =	task.clear_ibuf [dreg:s6], $0x2FFFF;
	_ =	strace $0x9FFFFFFF  }
0xc1: {  	(tm) =	ssettm $0x7FFFFFFF  }
tec
execute0_lowered:
.L_overlay_start_1:
0x0: {  	(tag) =	ssettag $0x1  }
0x1: {  	s0 =	srdreg.scid;
	s4 =	rddreg [dreg:$0x0];
	s2 =	simm.s32 $0x0  }
0x2: {  	s10 =	simm.s32 $0x5000;
	s11 =	simm.s32 $0x7780;
	s3 =	sand.u32 $0x1, s0  }
0x3: {  	s12 =	simm.s32 $0x0;
	s0 =	stileid.u32;
	s1 =	sshll.u32 s3, $0x4  }
0x4: {  	[smem:$0x7FF] =	sst s2;
	s7 =	ssub.s32 $0x2, s3;
	s5 =	sor.u32 s0, s1  }
0x5: {  	s3 =	sadd.s32 $0xC800, s4;
	s1 =	rddreg [dreg:$0x1];
	s6 =	smul.u32 $0x500, s5  }
0x6: {  	_ =	strace $0x80000050;
	s8 =	sshrl.u32 s7, $0x1;
	s5 =	smul.u32 $0x4F0, s5  }
0x7: {  	s7 =	ssub.s32 s7, s8;
	s8 =	simm.s32 $0x1;
	s6 =	sadd.s32 s6, s4  }
0x8: {  	s7 =	smax.u32 s7, $0x1;
	s9 =	sadd.s32 s5, s4;
	s4 =	sadd.s32 $0x16600, s6  }
0x9: {  	v0 =	vimm.f32 $0.0e+00;
	s5 =	sadd.s32 $0x2800, s6;
	s6 =	sadd.s32 $0x20600, s9;
	s9 =	simm.s32 $0x2800  }
.LBB2_1:
0xa: {  	[tilespmem:s2], [sflag:$0x1] =	stream.linear.gather [hbm4b:s4+s2], $0x2780, $0x38;
	[tilespmem:$0x9F00] =	vst v63  }
0xb: {  	_ =	swait.ge [sflag:s8], $0x2780  }
0xc: {  	[sflag:s8] =	ssyncset.done $0x0  }
0xd: {  	[sflag:s8] =	ssyncadd.s32 $0xFFFFD880  }
0xe: {  	[tilespmem:s9], [sflag:$0x1] =	stream.linear.gather [hbm4b:s5+s2], $0x2780, $0x38;
	[tilespmem:$0x9F00] =	vst v63  }
0xf: {  	_ =	swait.ge [sflag:s8], $0x2780  }
0x10: {  	[sflag:s8] =	ssyncset.done $0x0  }
0x11: {  	[sflag:s8] =	ssyncadd.s32 $0xFFFFD880  }
0x12: {  	[tilespmem:s10], [sflag:$0x1] =	stream.linear.gather [hbm4b:s3+s2], $0x2780, $0x38;
	[tilespmem:$0x9F00] =	vst v63  }
0x13: {  	_ =	swait.ge [sflag:s8], $0x2780  }
0x14: {  	[sflag:s8] =	ssyncset.done $0x0  }
0x15: {  	s13 =	simm.s32 $0x0;
	[sflag:s8] =	ssyncadd.s32 $0xFFFFD880  }
.LBB2_2:
0x16: {  	p0 =	sne.s32 s13, $0x9DC0  }
.Ltmp0:
0x17: {  	_ = 	snop;
	(pc) =	sbr.rel @p0 .LBB2_2-.Ltmp0, $3  }
0x18: {  	_ =	sdelay $0x1  }
0x19: {  	s14 =	sshra.s32 s13, $0x2  }
0x1a: {  	s13 =	sadd.s32 $0x40, s13;
	[tilespmem:s14+$0x7780] =	vst v0  }
0x1b: {  	s13 =	simm.s32 $0x0  }
.LBB2_4:
0x1c: {  	s14 =	sshra.s32 s13, $0x2  }
0x1d: {  	v1 =	vld [tilespmem:s14+$0x0];
	_ =	sdelay $0x4  }
0x1e: {  	v2 =	vld [tilespmem:s14+$0x2800];
	_ =	sdelay $0x2  }
0x1f: {  	v1 =	vld.idx.msk [tilespmem:v1+s10+$0x0], $0xffff;
	_ =	sdelay $0x4  }
0x20: {  	[tilespmem:v2+s11+$0x0] =	vst.idx.add.f32.msk $0xffff, v1  }
0x21: {  	v1 =	vld [tilespmem:s14+$0x10];
	_ =	sdelay $0x4  }
0x22: {  	v2 =	vld [tilespmem:s14+$0x2810];
	_ =	sdelay $0x2  }
0x23: {  	v1 =	vld.idx.msk [tilespmem:v1+s10+$0x0], $0xffff;
	_ =	sdelay $0x4  }
0x24: {  	[tilespmem:v2+s11+$0x0] =	vst.idx.add.f32.msk $0xffff, v1  }
0x25: {  	v1 =	vld [tilespmem:s14+$0x20];
	_ =	sdelay $0x4  }
0x26: {  	v2 =	vld [tilespmem:s14+$0x2820];
	_ =	sdelay $0x2  }
0x27: {  	v1 =	vld.idx.msk [tilespmem:v1+s10+$0x0], $0xffff;
	_ =	sdelay $0x4  }
0x28: {  	[tilespmem:v2+s11+$0x0] =	vst.idx.add.f32.msk $0xffff, v1  }
0x29: {  	v1 =	vld [tilespmem:s14+$0x30];
	_ =	sdelay $0x4  }
0x2a: {  	v2 =	vld [tilespmem:s14+$0x2830];
	_ =	sdelay $0x2  }
0x2b: {  	v1 =	vld.idx.msk [tilespmem:v1+s10+$0x0], $0xffff;
	_ =	sdelay $0x4  }
0x2c: {  	[tilespmem:v2+s11+$0x0] =	vst.idx.add.f32.msk $0xffff, v1  }
0x2d: {  	v1 =	vld [tilespmem:s14+$0x40];
	_ =	sdelay $0x4  }
0x2e: {  	v2 =	vld [tilespmem:s14+$0x2840];
	_ =	sdelay $0x2  }
0x2f: {  	v1 =	vld.idx.msk [tilespmem:v1+s10+$0x0], $0xffff;
	_ =	sdelay $0x4  }
0x30: {  	[tilespmem:v2+s11+$0x0] =	vst.idx.add.f32.msk $0xffff, v1  }
0x31: {  	v1 =	vld [tilespmem:s14+$0x50];
	_ =	sdelay $0x4  }
0x32: {  	v2 =	vld [tilespmem:s14+$0x2850];
	_ =	sdelay $0x2  }
0x33: {  	v1 =	vld.idx.msk [tilespmem:v1+s10+$0x0], $0xffff;
	_ =	sdelay $0x4  }
0x34: {  	[tilespmem:v2+s11+$0x0] =	vst.idx.add.f32.msk $0xffff, v1  }
0x35: {  	v1 =	vld [tilespmem:s14+$0x60];
	_ =	sdelay $0x4  }
0x36: {  	v2 =	vld [tilespmem:s14+$0x2860];
	_ =	sdelay $0x2  }
0x37: {  	v1 =	vld.idx.msk [tilespmem:v1+s10+$0x0], $0xffff;
	_ =	sdelay $0x4  }
0x38: {  	[tilespmem:v2+s11+$0x0] =	vst.idx.add.f32.msk $0xffff, v1  }
0x39: {  	v1 =	vld [tilespmem:s14+$0x70];
	_ =	sdelay $0x4  }
0x3a: {  	v2 =	vld [tilespmem:s14+$0x2870];
	_ =	sdelay $0x2  }
0x3b: {  	p0 =	sne.s32 s13, $0x9C00;
	v1 =	vld.idx.msk [tilespmem:v1+s10+$0x0], $0xffff  }
.Ltmp1:
0x3c: {  	_ = 	snop;
	(pc) =	sbr.rel @p0 .LBB2_4-.Ltmp1, $2  }
0x3d: {  	_ =	sdelay $0x2  }
0x3e: {  	s13 =	sadd.s32 $0x200, s13;
	[tilespmem:v2+s11+$0x0] =	vst.idx.add.f32.msk $0xffff, v1  }
0x3f: {  	s12 =	sadd.s32 $0x1, s12  }
0x40: {  	p0 =	sne.s32 s12, s7  }
.Ltmp2:
0x41: {  	_ = 	snop;
	(pc) =	sbr.rel @p0 .LBB2_1-.Ltmp2, $4  }
0x42: {  	[hbm4b:s6+s2] =	stream.linear.scatter [tilespmem:s11], [sflag:$0x1], $0x2780, $0x38;
	[tilespmem:$0x9F00] =	vst v63  }
0x43: {  	_ =	swait.ge [sflag:s8], $0x2780  }
0x44: {  	[sflag:s8] =	ssyncset.done $0x0  }
0x45: {  	[sflag:s8] =	ssyncadd.s32 $0xFFFFD880  }
0x46: {  	_ =	sfence.sel $0x180000  }
0x47: {  	[bflag:$0x0] =	sbarrier.arrive $0xFFFF  }
0x48: {  	p0 =	sne.s32 s0, $0x0;
	_ =	strace $0x90000050  }
0x49: {  	s0 =	sadd.s32 @!p0 $0x100000, s1;
	[bflag:$0x2] =	sbarrier.arrive $0xFFFF  }
0x4a: {  	[sflag:s0] =	ssyncadd.tile.s32 @!p0 $0x1;
	_ =	shalt  }
.Lfunc_end2:
_tile_overlayer_lowered:
.L_overlay_start_2:
0x4b: {  	(tag) =	ssettag $0x2  }
0x4c: {  	s0 =	rddreg [dreg:$0x0];
	s2 =	stileid.u32  }
0x4d: {  	s1 =	rddreg [dreg:$0x1];
	p0 =	sne.s32 s2, $0x0  }
0x4e: {  	s3 =	rddreg [dreg:$0x2];
	[bflag:$0x3] =	sbarrier.arrive $0xFFFF;
	s2 =	simm.s32 @!p0 $0x1C01  }
0x4f: {  	[timem:s3], [sflag:s2] =	dma.local @!p0 [hbm:s0], s1  }
0x50: {  	s0 =	simm.s32 @!p0 $0x1  }
0x51: {  	_ =	swait.ge @!p0 [sflag:s0], s1  }
0x52: {  	s1 =	ssub.s32 @!p0 $0x0, s1;
	[sflag:s0] =	ssyncset.done @!p0 $0x0  }
0x53: {  	[sflag:s0] =	ssyncadd.s32 @!p0 s1  }
0x54: {  	[bflag:$0x3] =	sbarrier.arrive $0xFFFF  }
0x55: {  	_ =	shalt  }

</sc_bundles>
